<compile_context>
chip_gen: v7x
topology: tpu7x:2x2x1
jax: 0.10.2.dev20260603
libtpu: 0.0.44.dev20260713+nightly
codegen_flags: <defaults>
</compile_context>

<pallas_src>
import functools

import jax
import jax.numpy as jnp
from jax import lax
from jax.experimental import pallas as pl
from jax.experimental.pallas import tpu as pltpu
from jax.experimental.pallas import tpu_sc as plsc

NUM_CORES = 2
NUM_SUBCORES = 16
NUM_TILES = NUM_CORES * NUM_SUBCORES
CHUNK = 128
DEG_W = 8
BLK = 512


def _make_mesh():
  return plsc.VectorSubcoreMesh(core_axis_name="c", subcore_axis_name="s")


def _make_sc_scatter(n_pad, f, chunks_per_tile):
  rows_per_tile = n_pad // NUM_SUBCORES

  @functools.partial(
      pl.kernel,
      out_type=jax.ShapeDtypeStruct((NUM_CORES * n_pad, f), jnp.float32),
      mesh=_make_mesh(),
      scratch_types=[
          pltpu.VMEM((chunks_per_tile, CHUNK), jnp.int32),
          pltpu.VMEM((chunks_per_tile, CHUNK), jnp.int32),
          pltpu.VMEM((CHUNK, f), jnp.float32),
          pltpu.VMEM_SHARED((n_pad, f), jnp.float32),
          pltpu.SemaphoreType.DMA,
      ],
      compiler_params=pltpu.CompilerParams(use_tc_tiling_on_sc=False),
  )
  def sc_scatter(rows_hbm, src_hbm, dst_hbm, zeros_hbm, out_hbm,
                 src_v, dst_v, rows_v, acc_sh, sem):
    c = lax.axis_index("c")
    s = lax.axis_index("s")
    wid = c * NUM_SUBCORES + s
    row0 = s * rows_per_tile
    pltpu.sync_copy(zeros_hbm, acc_sh.at[pl.ds(row0, rows_per_tile)])
    base = wid * chunks_per_tile
    pltpu.sync_copy(src_hbm.at[pl.ds(base, chunks_per_tile)], src_v)
    pltpu.sync_copy(dst_hbm.at[pl.ds(base, chunks_per_tile)], dst_v)
    plsc.subcore_barrier()

    def body(j, carry):
      pltpu.async_copy(rows_hbm.at[src_v.at[j]], rows_v, sem).wait()
      pltpu.sync_copy(rows_v, acc_sh.at[dst_v.at[j]], add=True)
      return carry

    lax.fori_loop(0, chunks_per_tile, body, 0)
    plsc.subcore_barrier()
    pltpu.sync_copy(acc_sh.at[pl.ds(row0, rows_per_tile)],
                    out_hbm.at[pl.ds(c * n_pad + row0, rows_per_tile)])

  return sc_scatter


def _make_sc_degree(n_pad, chunks_per_tile):
  rows_per_tile = n_pad // NUM_SUBCORES

  @functools.partial(
      pl.kernel,
      out_type=jax.ShapeDtypeStruct((NUM_CORES * n_pad, DEG_W), jnp.float32),
      mesh=_make_mesh(),
      scratch_types=[
          pltpu.VMEM((chunks_per_tile, CHUNK), jnp.int32),
          pltpu.VMEM((CHUNK, DEG_W), jnp.float32),
          pltpu.VMEM_SHARED((n_pad, DEG_W), jnp.float32),
      ],
      compiler_params=pltpu.CompilerParams(use_tc_tiling_on_sc=False),
  )
  def sc_degree(ones_hbm, dst_hbm, zeros_hbm, out_hbm, dst_v, ones_v, acc_sh):
    c = lax.axis_index("c")
    s = lax.axis_index("s")
    wid = c * NUM_SUBCORES + s
    row0 = s * rows_per_tile
    pltpu.sync_copy(zeros_hbm, acc_sh.at[pl.ds(row0, rows_per_tile)])
    pltpu.sync_copy(ones_hbm, ones_v)
    base = wid * chunks_per_tile
    pltpu.sync_copy(dst_hbm.at[pl.ds(base, chunks_per_tile)], dst_v)
    plsc.subcore_barrier()

    def body(j, carry):
      pltpu.sync_copy(ones_v, acc_sh.at[dst_v.at[j]], add=True)
      return carry

    lax.fori_loop(0, chunks_per_tile, body, 0)
    plsc.subcore_barrier()
    pltpu.sync_copy(acc_sh.at[pl.ds(row0, rows_per_tile)],
                    out_hbm.at[pl.ds(c * n_pad + row0, rows_per_tile)])

  return sc_degree


def _tc_mm_body(x_ref, w_ref, o_ref):
  o_ref[...] = jnp.dot(x_ref[...], w_ref[...], preferred_element_type=jnp.float32)


def _tc_lsm_body(v_ref, o_ref):
  v = v_ref[...]
  m = jnp.max(v, axis=1, keepdims=True)
  sv = v - m
  lse = jnp.log(jnp.sum(jnp.exp(sv), axis=1, keepdims=True))
  o_ref[...] = sv - lse


def _tc_matmul(x, w, blk=BLK):
  n_rows, k = x.shape
  kk, m = w.shape
  return pl.pallas_call(
      _tc_mm_body,
      grid=(n_rows // blk,),
      in_specs=[
          pl.BlockSpec((blk, k), lambda i: (i, 0)),
          pl.BlockSpec((k, m), lambda i: (0, 0)),
      ],
      out_specs=pl.BlockSpec((blk, m), lambda i: (i, 0)),
      out_shape=jax.ShapeDtypeStruct((n_rows, m), jnp.float32),
  )(x, w)


def _tc_log_softmax(v, blk=BLK):
  n_rows, m = v.shape
  return pl.pallas_call(
      _tc_lsm_body,
      grid=(n_rows // blk,),
      in_specs=[pl.BlockSpec((blk, m), lambda i: (i, 0))],
      out_specs=pl.BlockSpec((blk, m), lambda i: (i, 0)),
      out_shape=jax.ShapeDtypeStruct((n_rows, m), jnp.float32),
  )(v)


def kernel(x, edge_index, W1, b1, W2, b2):
  n, d_in = x.shape
  hidden = W1.shape[1]
  n_classes = W2.shape[1]
  e = edge_index.shape[1]

  edges_per_round = NUM_TILES * CHUNK * 8
  e_pad = ((e + edges_per_round - 1) // edges_per_round) * edges_per_round
  chunks_per_tile = e_pad // (NUM_TILES * CHUNK)
  n_pad = ((n + 1 + BLK - 1) // BLK) * BLK
  rows_per_tile = n_pad // NUM_SUBCORES

  src = edge_index[0]
  dst = edge_index[1]
  src_p = jnp.concatenate(
      [src, jnp.zeros((e_pad - e,), jnp.int32)]).reshape(e_pad // CHUNK, CHUNK)
  dst_p = jnp.concatenate(
      [dst, jnp.full((e_pad - e,), n, jnp.int32)]).reshape(e_pad // CHUNK, CHUNK)
  x_pad = jnp.pad(x, ((0, n_pad - n), (0, 0)))

  ones_rows = jnp.ones((CHUNK, DEG_W), jnp.float32)
  zeros1 = jnp.zeros((rows_per_tile, DEG_W), jnp.float32)
  zeros_f1 = jnp.zeros((rows_per_tile, hidden), jnp.float32)
  zeros_f2 = jnp.zeros((rows_per_tile, n_classes), jnp.float32)

  sc_degree = _make_sc_degree(n_pad, chunks_per_tile)
  sc_scat1 = _make_sc_scatter(n_pad, hidden, chunks_per_tile)
  sc_scat2 = _make_sc_scatter(n_pad, n_classes, chunks_per_tile)

  lanes = 128
  degcat = sc_degree(ones_rows, dst_p, zeros1)
  deg = degcat[:n_pad, :1] + degcat[n_pad:, :1] + 1.0
  dinv = lax.rsqrt(deg)

  w1p = jnp.zeros((d_in, lanes), jnp.float32).at[:, :hidden].set(W1)
  h1 = _tc_matmul(x_pad, w1p)[:, :hidden]
  h1p = dinv * h1

  pcat = sc_scat1(h1p, src_p, dst_p, zeros_f1)
  acc1 = pcat[:n_pad] + pcat[n_pad:] + h1p
  z = jnp.maximum(dinv * acc1 + b1[None, :], 0.0)

  zp = jnp.pad(z, ((0, 0), (0, lanes - hidden)))
  w2p = jnp.zeros((lanes, lanes), jnp.float32).at[:hidden, :n_classes].set(W2)
  h2 = _tc_matmul(zp, w2p)[:, :n_classes]
  h2p = dinv * h2

  qcat = sc_scat2(h2p, src_p, dst_p, zeros_f2)
  acc2 = qcat[:n_pad] + qcat[n_pad:] + h2p
  v = dinv * acc2 + b2[None, :]

  vp = jnp.pad(v, ((0, 0), (0, lanes - n_classes)), constant_values=-1e30)
  out = _tc_log_softmax(vp)
  return out[:n, :n_classes]

# --- scband reference (transcript-rebuilt; emitter-appended) ---
"""Pipeline reference for scband-net-44513041056128 (READ-ONLY COPY).

The authoritative reference and input builder live on the scoring server;
editing this copy changes nothing except your own understanding.
"""

import jax, jax.numpy as jnp
import numpy as np

N = 10000
E = 320000
D_IN = 128
HIDDEN = 32
N_CLASSES = 40


def setup_inputs(seed: int = 0) -> dict:
    key = jax.random.key(seed)
    ks = jax.random.split(key, 6)
    x = jax.random.normal(ks[0], (N, D_IN), dtype=jnp.float32)
    edge_index = jax.random.randint(ks[1], (2, E), 0, N, dtype=jnp.int32)
    # GCNLayer parameters (glorot-ish init)
    W1 = jax.random.normal(ks[2], (D_IN, HIDDEN), dtype=jnp.float32) * (1.0 / np.sqrt(D_IN))
    b1 = jnp.zeros((HIDDEN,), dtype=jnp.float32)
    W2 = jax.random.normal(ks[3], (HIDDEN, N_CLASSES), dtype=jnp.float32) * (1.0 / np.sqrt(HIDDEN))
    b2 = jnp.zeros((N_CLASSES,), dtype=jnp.float32)
    return {"x": x, "edge_index": edge_index, "W1": W1, "b1": b1, "W2": W2, "b2": b2}


def _gcn_layer(x, W, b, src, dst, n):
    # h = X W
    h = x @ W
    # symmetric normalization with self-loops already appended to src/dst
    deg = jnp.zeros((n,), dtype=x.dtype).at[dst].add(1.0)
    dinv = jnp.where(deg > 0, 1.0 / jnp.sqrt(deg), 0.0)
    norm = dinv[src] * dinv[dst]
    # gather -> scale -> scatter-add  (SparseCore-friendly pattern)
    msg = h[src] * norm[:, None]
    out = jnp.zeros((n, W.shape[1]), dtype=x.dtype).at[dst].add(msg)
    return out + b


def reference(x, edge_index, W1, b1, W2, b2):
    n = x.shape[0]
    loops = jnp.arange(n, dtype=edge_index.dtype)
    src = jnp.concatenate([edge_index[0], loops])
    dst = jnp.concatenate([edge_index[1], loops])
    h = _gcn_layer(x, W1, b1, src, dst, n)
    h = jax.nn.relu(h)
    # dropout is identity in eval mode (training=False)
    h = _gcn_layer(h, W2, b2, src, dst, n)
    return jax.nn.log_softmax(h, axis=1)

if __name__ == "__main__":
    import jax
    _d = setup_inputs()
    print(jax.jit(kernel)(*tuple(_d.values())))

</pallas_src>

<mosaic_0001>
#map = affine_map<(d0, d1) -> (0, 0)>
module attributes {stable_mosaic.version = 14 : i64} {
  func.func @sc_scatter(%arg0: i32, %arg1: i32, %arg2: memref<10240x32xf32, #tpu.memory_space<hbm>>, %arg3: memref<2560x128xi32, #tpu.memory_space<hbm>>, %arg4: memref<2560x128xi32, #tpu.memory_space<hbm>>, %arg5: memref<640x32xf32, #tpu.memory_space<hbm>>, %arg6: memref<20480x32xf32, #tpu.memory_space<hbm>>, %arg7: memref<80x128xi32, #tpu.memory_space<vmem>>, %arg8: memref<80x128xi32, #tpu.memory_space<vmem>>, %arg9: memref<128x32xf32, #tpu.memory_space<vmem>>, %arg10: memref<10240x32xf32, #tpu.memory_space<vmem_shared>>, %arg11: memref<!tpu.dma_semaphore, #tpu.memory_space<semaphore_mem>>) attributes {dimension_semantics = [#tpu.dimension_semantics<core_parallel>, #tpu.dimension_semantics<subcore_parallel>], iteration_bounds = array<i64: 2, 16>, scalar_prefetch = 0 : i64, scratch_operands = 5 : i64, tpu.core_type = #tpu.core_type<sc_vector_subcore>, window_params = [{transform_indices = #map}, {transform_indices = #map}, {transform_indices = #map}, {transform_indices = #map}, {transform_indices = #map}]} {
    %mul3A = arith.constant 16 : i32
    %mul3A_0 = arith.muli %arg0, %mul3A : i32
    %add3A = arith.addi %mul3A_0, %arg1 : i32
    %mul3A_1 = arith.constant 640 : i32
    %mul3A_2 = arith.muli %arg1, %mul3A_1 : i32
    "tpu.region"() ({
      %run_scoped3A = tpu.sem_alloc : memref<!tpu.dma_semaphore, #tpu.memory_space<semaphore_mem>>
      %dma_start3A = arith.constant 0 : i32
      %dma_start3A_14 = tpu.memref_slice %arg10[%mul3A_2, %dma_start3A] : memref<10240x32xf32, #tpu.memory_space<vmem_shared>> -> memref<640x32xf32, #tpu.memory_space<vmem_shared>>
      tpu.enqueue_dma source(%arg5 : memref<640x32xf32, #tpu.memory_space<hbm>>) target(%dma_start3A_14 : memref<640x32xf32, #tpu.memory_space<vmem_shared>>) target_semaphore(%run_scoped3A : memref<!tpu.dma_semaphore, #tpu.memory_space<semaphore_mem>>)
      %dma_wait3A = arith.constant 0 : i32
      %dma_wait3A_15 = tpu.memref_slice %arg10[%mul3A_2, %dma_wait3A] : memref<10240x32xf32, #tpu.memory_space<vmem_shared>> -> memref<640x32xf32, #tpu.memory_space<vmem_shared>>
      tpu.wait_dma2 semaphore(%run_scoped3A : memref<!tpu.dma_semaphore, #tpu.memory_space<semaphore_mem>>) src(%arg5 : memref<640x32xf32, #tpu.memory_space<hbm>>) dst(%dma_wait3A_15 : memref<640x32xf32, #tpu.memory_space<vmem_shared>>)
      tpu.yield
    }) : () -> ()
    %mul3A_3 = arith.constant 80 : i32
    %mul3A_4 = arith.muli %add3A, %mul3A_3 : i32
    "tpu.region"() ({
      %run_scoped3A = tpu.sem_alloc : memref<!tpu.dma_semaphore, #tpu.memory_space<semaphore_mem>>
      %dma_start3A = arith.constant 0 : i32
      %dma_start3A_14 = tpu.memref_slice %arg3[%mul3A_4, %dma_start3A] : memref<2560x128xi32, #tpu.memory_space<hbm>> -> memref<80x128xi32, #tpu.memory_space<hbm>>
      %dma_start3A_15 = arith.constant 0 : i32
      %dma_start3A_16 = tpu.memref_slice %arg3[%mul3A_4, %dma_start3A_15] : memref<2560x128xi32, #tpu.memory_space<hbm>> -> memref<80x128xi32, #tpu.memory_space<hbm>>
      tpu.enqueue_dma source(%dma_start3A_16 : memref<80x128xi32, #tpu.memory_space<hbm>>) target(%arg7 : memref<80x128xi32, #tpu.memory_space<vmem>>) target_semaphore(%run_scoped3A : memref<!tpu.dma_semaphore, #tpu.memory_space<semaphore_mem>>)
      %dma_wait3A = arith.constant 0 : i32
      %dma_wait3A_17 = tpu.memref_slice %arg3[%mul3A_4, %dma_wait3A] : memref<2560x128xi32, #tpu.memory_space<hbm>> -> memref<80x128xi32, #tpu.memory_space<hbm>>
      %dma_wait3A_18 = arith.constant 0 : i32
      %dma_wait3A_19 = tpu.memref_slice %arg3[%mul3A_4, %dma_wait3A_18] : memref<2560x128xi32, #tpu.memory_space<hbm>> -> memref<80x128xi32, #tpu.memory_space<hbm>>
      tpu.wait_dma2 semaphore(%run_scoped3A : memref<!tpu.dma_semaphore, #tpu.memory_space<semaphore_mem>>) src(%dma_wait3A_19 : memref<80x128xi32, #tpu.memory_space<hbm>>) dst(%arg7 : memref<80x128xi32, #tpu.memory_space<vmem>>)
      tpu.yield
    }) : () -> ()
    "tpu.region"() ({
      %run_scoped3A = tpu.sem_alloc : memref<!tpu.dma_semaphore, #tpu.memory_space<semaphore_mem>>
      %dma_start3A = arith.constant 0 : i32
      %dma_start3A_14 = tpu.memref_slice %arg4[%mul3A_4, %dma_start3A] : memref<2560x128xi32, #tpu.memory_space<hbm>> -> memref<80x128xi32, #tpu.memory_space<hbm>>
      %dma_start3A_15 = arith.constant 0 : i32
      %dma_start3A_16 = tpu.memref_slice %arg4[%mul3A_4, %dma_start3A_15] : memref<2560x128xi32, #tpu.memory_space<hbm>> -> memref<80x128xi32, #tpu.memory_space<hbm>>
      tpu.enqueue_dma source(%dma_start3A_16 : memref<80x128xi32, #tpu.memory_space<hbm>>) target(%arg8 : memref<80x128xi32, #tpu.memory_space<vmem>>) target_semaphore(%run_scoped3A : memref<!tpu.dma_semaphore, #tpu.memory_space<semaphore_mem>>)
      %dma_wait3A = arith.constant 0 : i32
      %dma_wait3A_17 = tpu.memref_slice %arg4[%mul3A_4, %dma_wait3A] : memref<2560x128xi32, #tpu.memory_space<hbm>> -> memref<80x128xi32, #tpu.memory_space<hbm>>
      %dma_wait3A_18 = arith.constant 0 : i32
      %dma_wait3A_19 = tpu.memref_slice %arg4[%mul3A_4, %dma_wait3A_18] : memref<2560x128xi32, #tpu.memory_space<hbm>> -> memref<80x128xi32, #tpu.memory_space<hbm>>
      tpu.wait_dma2 semaphore(%run_scoped3A : memref<!tpu.dma_semaphore, #tpu.memory_space<semaphore_mem>>) src(%dma_wait3A_19 : memref<80x128xi32, #tpu.memory_space<hbm>>) dst(%arg8 : memref<80x128xi32, #tpu.memory_space<vmem>>)
      tpu.yield
    }) : () -> ()
    %barrier3A = arith.constant 0 : index
    tpu.barrier barrier_id(%barrier3A)
    %scan3A = arith.constant 0 : i32
    %scan3A_5 = arith.constant 0 : i32
    %scan3A_6 = arith.constant 80 : i32
    %scan3A_7 = arith.addi %scan3A_5, %scan3A_6 : i32
    %scan3A_8 = arith.constant 1 : i32
    scf.for %scan3A_14 = %scan3A_5 to %scan3A_7 step %scan3A_8  : i32 {
      %dma_start3A = arith.constant 0 : i32
      %dma_start3A_15 = tpu.memref_slice %arg7[%scan3A_14, %dma_start3A] : memref<80x128xi32, #tpu.memory_space<vmem>> -> memref<1x128xi32, #tpu.memory_space<vmem>>
      %dma_start3A_16 = tpu.memref_squeeze %dma_start3A_15 : memref<1x128xi32, #tpu.memory_space<vmem>> -> memref<128xi32, #tpu.memory_space<vmem>>
      %dma_start3A_17 = arith.constant 0 : i32
      %dma_start3A_18 = arith.constant 0 : i32
      %dma_start3A_19 = tpu.memref_slice %arg2[%dma_start3A_17, %dma_start3A_18] : memref<10240x32xf32, #tpu.memory_space<hbm>> -> memref<10240x32xf32, #tpu.memory_space<hbm>>
      tpu.enqueue_indirect_dma source(%dma_start3A_19 : memref<10240x32xf32, #tpu.memory_space<hbm>>) target(%arg9 : memref<128x32xf32, #tpu.memory_space<vmem>>) offsets(%dma_start3A_16 : memref<128xi32, #tpu.memory_space<vmem>>) semaphore(%arg11 : memref<!tpu.dma_semaphore, #tpu.memory_space<semaphore_mem>>)
      %dma_wait3A = arith.constant 0 : i32
      %dma_wait3A_20 = tpu.memref_slice %arg7[%scan3A_14, %dma_wait3A] : memref<80x128xi32, #tpu.memory_space<vmem>> -> memref<1x128xi32, #tpu.memory_space<vmem>>
      %dma_wait3A_21 = tpu.memref_squeeze %dma_wait3A_20 : memref<1x128xi32, #tpu.memory_space<vmem>> -> memref<128xi32, #tpu.memory_space<vmem>>
      %dma_wait3A_22 = arith.constant 0 : i32
      %dma_wait3A_23 = arith.constant 0 : i32
      %dma_wait3A_24 = tpu.memref_slice %arg2[%dma_wait3A_22, %dma_wait3A_23] : memref<10240x32xf32, #tpu.memory_space<hbm>> -> memref<10240x32xf32, #tpu.memory_space<hbm>>
      tpu.wait_indirect_dma semaphore(%arg11 : memref<!tpu.dma_semaphore, #tpu.memory_space<semaphore_mem>>) src(%dma_wait3A_24 : memref<10240x32xf32, #tpu.memory_space<hbm>>) dst(%arg9 : memref<128x32xf32, #tpu.memory_space<vmem>>)
      "tpu.region"() ({
        %run_scoped3A = tpu.sem_alloc : memref<!tpu.dma_semaphore, #tpu.memory_space<semaphore_mem>>
        %dma_start3A_25 = arith.constant 0 : i32
        %dma_start3A_26 = tpu.memref_slice %arg8[%scan3A_14, %dma_start3A_25] : memref<80x128xi32, #tpu.memory_space<vmem>> -> memref<1x128xi32, #tpu.memory_space<vmem>>
        %dma_start3A_27 = tpu.memref_squeeze %dma_start3A_26 : memref<1x128xi32, #tpu.memory_space<vmem>> -> memref<128xi32, #tpu.memory_space<vmem>>
        %dma_start3A_28 = arith.constant 0 : i32
        %dma_start3A_29 = arith.constant 0 : i32
        %dma_start3A_30 = tpu.memref_slice %arg10[%dma_start3A_28, %dma_start3A_29] : memref<10240x32xf32, #tpu.memory_space<vmem_shared>> -> memref<10240x32xf32, #tpu.memory_space<vmem_shared>>
        tpu.enqueue_indirect_dma source(%arg9 : memref<128x32xf32, #tpu.memory_space<vmem>>) target(%dma_start3A_30 : memref<10240x32xf32, #tpu.memory_space<vmem_shared>>) offsets(%dma_start3A_27 : memref<128xi32, #tpu.memory_space<vmem>>) semaphore(%run_scoped3A : memref<!tpu.dma_semaphore, #tpu.memory_space<semaphore_mem>>) {add = true}
        %dma_wait3A_31 = arith.constant 0 : i32
        %dma_wait3A_32 = tpu.memref_slice %arg8[%scan3A_14, %dma_wait3A_31] : memref<80x128xi32, #tpu.memory_space<vmem>> -> memref<1x128xi32, #tpu.memory_space<vmem>>
        %dma_wait3A_33 = tpu.memref_squeeze %dma_wait3A_32 : memref<1x128xi32, #tpu.memory_space<vmem>> -> memref<128xi32, #tpu.memory_space<vmem>>
        %dma_wait3A_34 = arith.constant 0 : i32
        %dma_wait3A_35 = arith.constant 0 : i32
        %dma_wait3A_36 = tpu.memref_slice %arg10[%dma_wait3A_34, %dma_wait3A_35] : memref<10240x32xf32, #tpu.memory_space<vmem_shared>> -> memref<10240x32xf32, #tpu.memory_space<vmem_shared>>
        tpu.wait_indirect_dma semaphore(%run_scoped3A : memref<!tpu.dma_semaphore, #tpu.memory_space<semaphore_mem>>) src(%arg9 : memref<128x32xf32, #tpu.memory_space<vmem>>) dst(%dma_wait3A_36 : memref<10240x32xf32, #tpu.memory_space<vmem_shared>>)
        tpu.yield
      }) : () -> ()
    }
    %scan3A_9 = arith.constant 80 : i32
    %barrier3A_10 = arith.constant 0 : index
    tpu.barrier barrier_id(%barrier3A_10)
    %mul3A_11 = arith.constant 10240 : i32
    %mul3A_12 = arith.muli %arg0, %mul3A_11 : i32
    %add3A_13 = arith.addi %mul3A_12, %mul3A_2 : i32
    "tpu.region"() ({
      %run_scoped3A = tpu.sem_alloc : memref<!tpu.dma_semaphore, #tpu.memory_space<semaphore_mem>>
      %dma_start3A = arith.constant 0 : i32
      %dma_start3A_14 = tpu.memref_slice %arg6[%add3A_13, %dma_start3A] : memref<20480x32xf32, #tpu.memory_space<hbm>> -> memref<640x32xf32, #tpu.memory_space<hbm>>
      %dma_start3A_15 = arith.constant 0 : i32
      %dma_start3A_16 = tpu.memref_slice %arg10[%mul3A_2, %dma_start3A_15] : memref<10240x32xf32, #tpu.memory_space<vmem_shared>> -> memref<640x32xf32, #tpu.memory_space<vmem_shared>>
      tpu.enqueue_dma source(%dma_start3A_16 : memref<640x32xf32, #tpu.memory_space<vmem_shared>>) target(%dma_start3A_14 : memref<640x32xf32, #tpu.memory_space<hbm>>) target_semaphore(%run_scoped3A : memref<!tpu.dma_semaphore, #tpu.memory_space<semaphore_mem>>)
      %dma_wait3A = arith.constant 0 : i32
      %dma_wait3A_17 = tpu.memref_slice %arg6[%add3A_13, %dma_wait3A] : memref<20480x32xf32, #tpu.memory_space<hbm>> -> memref<640x32xf32, #tpu.memory_space<hbm>>
      %dma_wait3A_18 = arith.constant 0 : i32
      %dma_wait3A_19 = tpu.memref_slice %arg10[%mul3A_2, %dma_wait3A_18] : memref<10240x32xf32, #tpu.memory_space<vmem_shared>> -> memref<640x32xf32, #tpu.memory_space<vmem_shared>>
      tpu.wait_dma2 semaphore(%run_scoped3A : memref<!tpu.dma_semaphore, #tpu.memory_space<semaphore_mem>>) src(%dma_wait3A_19 : memref<640x32xf32, #tpu.memory_space<vmem_shared>>) dst(%dma_wait3A_17 : memref<640x32xf32, #tpu.memory_space<hbm>>)
      tpu.yield
    }) : () -> ()
    return
  }
}

#map = affine_map<(d0, d1) -> (0, 0)>
module attributes {stable_mosaic.version = 14 : i64} {
  func.func @sc_degree(%arg0: i32, %arg1: i32, %arg2: memref<128x8xf32, #tpu.memory_space<hbm>>, %arg3: memref<2560x128xi32, #tpu.memory_space<hbm>>, %arg4: memref<640x8xf32, #tpu.memory_space<hbm>>, %arg5: memref<20480x8xf32, #tpu.memory_space<hbm>>, %arg6: memref<80x128xi32, #tpu.memory_space<vmem>>, %arg7: memref<128x8xf32, #tpu.memory_space<vmem>>, %arg8: memref<10240x8xf32, #tpu.memory_space<vmem_shared>>) attributes {dimension_semantics = [#tpu.dimension_semantics<core_parallel>, #tpu.dimension_semantics<subcore_parallel>], iteration_bounds = array<i64: 2, 16>, scalar_prefetch = 0 : i64, scratch_operands = 3 : i64, tpu.core_type = #tpu.core_type<sc_vector_subcore>, window_params = [{transform_indices = #map}, {transform_indices = #map}, {transform_indices = #map}, {transform_indices = #map}]} {
    %mul3A = arith.constant 16 : i32
    %mul3A_0 = arith.muli %arg0, %mul3A : i32
    %add3A = arith.addi %mul3A_0, %arg1 : i32
    %mul3A_1 = arith.constant 640 : i32
    %mul3A_2 = arith.muli %arg1, %mul3A_1 : i32
    "tpu.region"() ({
      %run_scoped3A = tpu.sem_alloc : memref<!tpu.dma_semaphore, #tpu.memory_space<semaphore_mem>>
      %dma_start3A = arith.constant 0 : i32
      %dma_start3A_14 = tpu.memref_slice %arg8[%mul3A_2, %dma_start3A] : memref<10240x8xf32, #tpu.memory_space<vmem_shared>> -> memref<640x8xf32, #tpu.memory_space<vmem_shared>>
      tpu.enqueue_dma source(%arg4 : memref<640x8xf32, #tpu.memory_space<hbm>>) target(%dma_start3A_14 : memref<640x8xf32, #tpu.memory_space<vmem_shared>>) target_semaphore(%run_scoped3A : memref<!tpu.dma_semaphore, #tpu.memory_space<semaphore_mem>>)
      %dma_wait3A = arith.constant 0 : i32
      %dma_wait3A_15 = tpu.memref_slice %arg8[%mul3A_2, %dma_wait3A] : memref<10240x8xf32, #tpu.memory_space<vmem_shared>> -> memref<640x8xf32, #tpu.memory_space<vmem_shared>>
      tpu.wait_dma2 semaphore(%run_scoped3A : memref<!tpu.dma_semaphore, #tpu.memory_space<semaphore_mem>>) src(%arg4 : memref<640x8xf32, #tpu.memory_space<hbm>>) dst(%dma_wait3A_15 : memref<640x8xf32, #tpu.memory_space<vmem_shared>>)
      tpu.yield
    }) : () -> ()
    "tpu.region"() ({
      %run_scoped3A = tpu.sem_alloc : memref<!tpu.dma_semaphore, #tpu.memory_space<semaphore_mem>>
      tpu.enqueue_dma source(%arg2 : memref<128x8xf32, #tpu.memory_space<hbm>>) target(%arg7 : memref<128x8xf32, #tpu.memory_space<vmem>>) target_semaphore(%run_scoped3A : memref<!tpu.dma_semaphore, #tpu.memory_space<semaphore_mem>>)
      tpu.wait_dma2 semaphore(%run_scoped3A : memref<!tpu.dma_semaphore, #tpu.memory_space<semaphore_mem>>) src(%arg2 : memref<128x8xf32, #tpu.memory_space<hbm>>) dst(%arg7 : memref<128x8xf32, #tpu.memory_space<vmem>>)
      tpu.yield
    }) : () -> ()
    %mul3A_3 = arith.constant 80 : i32
    %mul3A_4 = arith.muli %add3A, %mul3A_3 : i32
    "tpu.region"() ({
      %run_scoped3A = tpu.sem_alloc : memref<!tpu.dma_semaphore, #tpu.memory_space<semaphore_mem>>
      %dma_start3A = arith.constant 0 : i32
      %dma_start3A_14 = tpu.memref_slice %arg3[%mul3A_4, %dma_start3A] : memref<2560x128xi32, #tpu.memory_space<hbm>> -> memref<80x128xi32, #tpu.memory_space<hbm>>
      %dma_start3A_15 = arith.constant 0 : i32
      %dma_start3A_16 = tpu.memref_slice %arg3[%mul3A_4, %dma_start3A_15] : memref<2560x128xi32, #tpu.memory_space<hbm>> -> memref<80x128xi32, #tpu.memory_space<hbm>>
      tpu.enqueue_dma source(%dma_start3A_16 : memref<80x128xi32, #tpu.memory_space<hbm>>) target(%arg6 : memref<80x128xi32, #tpu.memory_space<vmem>>) target_semaphore(%run_scoped3A : memref<!tpu.dma_semaphore, #tpu.memory_space<semaphore_mem>>)
      %dma_wait3A = arith.constant 0 : i32
      %dma_wait3A_17 = tpu.memref_slice %arg3[%mul3A_4, %dma_wait3A] : memref<2560x128xi32, #tpu.memory_space<hbm>> -> memref<80x128xi32, #tpu.memory_space<hbm>>
      %dma_wait3A_18 = arith.constant 0 : i32
      %dma_wait3A_19 = tpu.memref_slice %arg3[%mul3A_4, %dma_wait3A_18] : memref<2560x128xi32, #tpu.memory_space<hbm>> -> memref<80x128xi32, #tpu.memory_space<hbm>>
      tpu.wait_dma2 semaphore(%run_scoped3A : memref<!tpu.dma_semaphore, #tpu.memory_space<semaphore_mem>>) src(%dma_wait3A_19 : memref<80x128xi32, #tpu.memory_space<hbm>>) dst(%arg6 : memref<80x128xi32, #tpu.memory_space<vmem>>)
      tpu.yield
    }) : () -> ()
    %barrier3A = arith.constant 0 : index
    tpu.barrier barrier_id(%barrier3A)
    %scan3A = arith.constant 0 : i32
    %scan3A_5 = arith.constant 0 : i32
    %scan3A_6 = arith.constant 80 : i32
    %scan3A_7 = arith.addi %scan3A_5, %scan3A_6 : i32
    %scan3A_8 = arith.constant 1 : i32
    scf.for %scan3A_14 = %scan3A_5 to %scan3A_7 step %scan3A_8  : i32 {
      "tpu.region"() ({
        %run_scoped3A = tpu.sem_alloc : memref<!tpu.dma_semaphore, #tpu.memory_space<semaphore_mem>>
        %dma_start3A = arith.constant 0 : i32
        %dma_start3A_15 = tpu.memref_slice %arg6[%scan3A_14, %dma_start3A] : memref<80x128xi32, #tpu.memory_space<vmem>> -> memref<1x128xi32, #tpu.memory_space<vmem>>
        %dma_start3A_16 = tpu.memref_squeeze %dma_start3A_15 : memref<1x128xi32, #tpu.memory_space<vmem>> -> memref<128xi32, #tpu.memory_space<vmem>>
        %dma_start3A_17 = arith.constant 0 : i32
        %dma_start3A_18 = arith.constant 0 : i32
        %dma_start3A_19 = tpu.memref_slice %arg8[%dma_start3A_17, %dma_start3A_18] : memref<10240x8xf32, #tpu.memory_space<vmem_shared>> -> memref<10240x8xf32, #tpu.memory_space<vmem_shared>>
        tpu.enqueue_indirect_dma source(%arg7 : memref<128x8xf32, #tpu.memory_space<vmem>>) target(%dma_start3A_19 : memref<10240x8xf32, #tpu.memory_space<vmem_shared>>) offsets(%dma_start3A_16 : memref<128xi32, #tpu.memory_space<vmem>>) semaphore(%run_scoped3A : memref<!tpu.dma_semaphore, #tpu.memory_space<semaphore_mem>>) {add = true}
        %dma_wait3A = arith.constant 0 : i32
        %dma_wait3A_20 = tpu.memref_slice %arg6[%scan3A_14, %dma_wait3A] : memref<80x128xi32, #tpu.memory_space<vmem>> -> memref<1x128xi32, #tpu.memory_space<vmem>>
        %dma_wait3A_21 = tpu.memref_squeeze %dma_wait3A_20 : memref<1x128xi32, #tpu.memory_space<vmem>> -> memref<128xi32, #tpu.memory_space<vmem>>
        %dma_wait3A_22 = arith.constant 0 : i32
        %dma_wait3A_23 = arith.constant 0 : i32
        %dma_wait3A_24 = tpu.memref_slice %arg8[%dma_wait3A_22, %dma_wait3A_23] : memref<10240x8xf32, #tpu.memory_space<vmem_shared>> -> memref<10240x8xf32, #tpu.memory_space<vmem_shared>>
        tpu.wait_indirect_dma semaphore(%run_scoped3A : memref<!tpu.dma_semaphore, #tpu.memory_space<semaphore_mem>>) src(%arg7 : memref<128x8xf32, #tpu.memory_space<vmem>>) dst(%dma_wait3A_24 : memref<10240x8xf32, #tpu.memory_space<vmem_shared>>)
        tpu.yield
      }) : () -> ()
    }
    %scan3A_9 = arith.constant 80 : i32
    %barrier3A_10 = arith.constant 0 : index
    tpu.barrier barrier_id(%barrier3A_10)
    %mul3A_11 = arith.constant 10240 : i32
    %mul3A_12 = arith.muli %arg0, %mul3A_11 : i32
    %add3A_13 = arith.addi %mul3A_12, %mul3A_2 : i32
    "tpu.region"() ({
      %run_scoped3A = tpu.sem_alloc : memref<!tpu.dma_semaphore, #tpu.memory_space<semaphore_mem>>
      %dma_start3A = arith.constant 0 : i32
      %dma_start3A_14 = tpu.memref_slice %arg5[%add3A_13, %dma_start3A] : memref<20480x8xf32, #tpu.memory_space<hbm>> -> memref<640x8xf32, #tpu.memory_space<hbm>>
      %dma_start3A_15 = arith.constant 0 : i32
      %dma_start3A_16 = tpu.memref_slice %arg8[%mul3A_2, %dma_start3A_15] : memref<10240x8xf32, #tpu.memory_space<vmem_shared>> -> memref<640x8xf32, #tpu.memory_space<vmem_shared>>
      tpu.enqueue_dma source(%dma_start3A_16 : memref<640x8xf32, #tpu.memory_space<vmem_shared>>) target(%dma_start3A_14 : memref<640x8xf32, #tpu.memory_space<hbm>>) target_semaphore(%run_scoped3A : memref<!tpu.dma_semaphore, #tpu.memory_space<semaphore_mem>>)
      %dma_wait3A = arith.constant 0 : i32
      %dma_wait3A_17 = tpu.memref_slice %arg5[%add3A_13, %dma_wait3A] : memref<20480x8xf32, #tpu.memory_space<hbm>> -> memref<640x8xf32, #tpu.memory_space<hbm>>
      %dma_wait3A_18 = arith.constant 0 : i32
      %dma_wait3A_19 = tpu.memref_slice %arg8[%mul3A_2, %dma_wait3A_18] : memref<10240x8xf32, #tpu.memory_space<vmem_shared>> -> memref<640x8xf32, #tpu.memory_space<vmem_shared>>
      tpu.wait_dma2 semaphore(%run_scoped3A : memref<!tpu.dma_semaphore, #tpu.memory_space<semaphore_mem>>) src(%dma_wait3A_19 : memref<640x8xf32, #tpu.memory_space<vmem_shared>>) dst(%dma_wait3A_17 : memref<640x8xf32, #tpu.memory_space<hbm>>)
      tpu.yield
    }) : () -> ()
    return
  }
}

#map = affine_map<(d0, d1) -> (0, 0)>
module attributes {stable_mosaic.version = 14 : i64} {
  func.func @sc_scatter(%arg0: i32, %arg1: i32, %arg2: memref<10240x40xf32, #tpu.memory_space<hbm>>, %arg3: memref<2560x128xi32, #tpu.memory_space<hbm>>, %arg4: memref<2560x128xi32, #tpu.memory_space<hbm>>, %arg5: memref<640x40xf32, #tpu.memory_space<hbm>>, %arg6: memref<20480x40xf32, #tpu.memory_space<hbm>>, %arg7: memref<80x128xi32, #tpu.memory_space<vmem>>, %arg8: memref<80x128xi32, #tpu.memory_space<vmem>>, %arg9: memref<128x40xf32, #tpu.memory_space<vmem>>, %arg10: memref<10240x40xf32, #tpu.memory_space<vmem_shared>>, %arg11: memref<!tpu.dma_semaphore, #tpu.memory_space<semaphore_mem>>) attributes {dimension_semantics = [#tpu.dimension_semantics<core_parallel>, #tpu.dimension_semantics<subcore_parallel>], iteration_bounds = array<i64: 2, 16>, scalar_prefetch = 0 : i64, scratch_operands = 5 : i64, tpu.core_type = #tpu.core_type<sc_vector_subcore>, window_params = [{transform_indices = #map}, {transform_indices = #map}, {transform_indices = #map}, {transform_indices = #map}, {transform_indices = #map}]} {
    %mul3A = arith.constant 16 : i32
    %mul3A_0 = arith.muli %arg0, %mul3A : i32
    %add3A = arith.addi %mul3A_0, %arg1 : i32
    %mul3A_1 = arith.constant 640 : i32
    %mul3A_2 = arith.muli %arg1, %mul3A_1 : i32
    "tpu.region"() ({
      %run_scoped3A = tpu.sem_alloc : memref<!tpu.dma_semaphore, #tpu.memory_space<semaphore_mem>>
      %dma_start3A = arith.constant 0 : i32
      %dma_start3A_14 = tpu.memref_slice %arg10[%mul3A_2, %dma_start3A] : memref<10240x40xf32, #tpu.memory_space<vmem_shared>> -> memref<640x40xf32, #tpu.memory_space<vmem_shared>>
      tpu.enqueue_dma source(%arg5 : memref<640x40xf32, #tpu.memory_space<hbm>>) target(%dma_start3A_14 : memref<640x40xf32, #tpu.memory_space<vmem_shared>>) target_semaphore(%run_scoped3A : memref<!tpu.dma_semaphore, #tpu.memory_space<semaphore_mem>>)
      %dma_wait3A = arith.constant 0 : i32
      %dma_wait3A_15 = tpu.memref_slice %arg10[%mul3A_2, %dma_wait3A] : memref<10240x40xf32, #tpu.memory_space<vmem_shared>> -> memref<640x40xf32, #tpu.memory_space<vmem_shared>>
      tpu.wait_dma2 semaphore(%run_scoped3A : memref<!tpu.dma_semaphore, #tpu.memory_space<semaphore_mem>>) src(%arg5 : memref<640x40xf32, #tpu.memory_space<hbm>>) dst(%dma_wait3A_15 : memref<640x40xf32, #tpu.memory_space<vmem_shared>>)
      tpu.yield
    }) : () -> ()
    %mul3A_3 = arith.constant 80 : i32
    %mul3A_4 = arith.muli %add3A, %mul3A_3 : i32
    "tpu.region"() ({
      %run_scoped3A = tpu.sem_alloc : memref<!tpu.dma_semaphore, #tpu.memory_space<semaphore_mem>>
      %dma_start3A = arith.constant 0 : i32
      %dma_start3A_14 = tpu.memref_slice %arg3[%mul3A_4, %dma_start3A] : memref<2560x128xi32, #tpu.memory_space<hbm>> -> memref<80x128xi32, #tpu.memory_space<hbm>>
      %dma_start3A_15 = arith.constant 0 : i32
      %dma_start3A_16 = tpu.memref_slice %arg3[%mul3A_4, %dma_start3A_15] : memref<2560x128xi32, #tpu.memory_space<hbm>> -> memref<80x128xi32, #tpu.memory_space<hbm>>
      tpu.enqueue_dma source(%dma_start3A_16 : memref<80x128xi32, #tpu.memory_space<hbm>>) target(%arg7 : memref<80x128xi32, #tpu.memory_space<vmem>>) target_semaphore(%run_scoped3A : memref<!tpu.dma_semaphore, #tpu.memory_space<semaphore_mem>>)
      %dma_wait3A = arith.constant 0 : i32
      %dma_wait3A_17 = tpu.memref_slice %arg3[%mul3A_4, %dma_wait3A] : memref<2560x128xi32, #tpu.memory_space<hbm>> -> memref<80x128xi32, #tpu.memory_space<hbm>>
      %dma_wait3A_18 = arith.constant 0 : i32
      %dma_wait3A_19 = tpu.memref_slice %arg3[%mul3A_4, %dma_wait3A_18] : memref<2560x128xi32, #tpu.memory_space<hbm>> -> memref<80x128xi32, #tpu.memory_space<hbm>>
      tpu.wait_dma2 semaphore(%run_scoped3A : memref<!tpu.dma_semaphore, #tpu.memory_space<semaphore_mem>>) src(%dma_wait3A_19 : memref<80x128xi32, #tpu.memory_space<hbm>>) dst(%arg7 : memref<80x128xi32, #tpu.memory_space<vmem>>)
      tpu.yield
    }) : () -> ()
    "tpu.region"() ({
      %run_scoped3A = tpu.sem_alloc : memref<!tpu.dma_semaphore, #tpu.memory_space<semaphore_mem>>
      %dma_start3A = arith.constant 0 : i32
      %dma_start3A_14 = tpu.memref_slice %arg4[%mul3A_4, %dma_start3A] : memref<2560x128xi32, #tpu.memory_space<hbm>> -> memref<80x128xi32, #tpu.memory_space<hbm>>
      %dma_start3A_15 = arith.constant 0 : i32
      %dma_start3A_16 = tpu.memref_slice %arg4[%mul3A_4, %dma_start3A_15] : memref<2560x128xi32, #tpu.memory_space<hbm>> -> memref<80x128xi32, #tpu.memory_space<hbm>>
      tpu.enqueue_dma source(%dma_start3A_16 : memref<80x128xi32, #tpu.memory_space<hbm>>) target(%arg8 : memref<80x128xi32, #tpu.memory_space<vmem>>) target_semaphore(%run_scoped3A : memref<!tpu.dma_semaphore, #tpu.memory_space<semaphore_mem>>)
      %dma_wait3A = arith.constant 0 : i32
      %dma_wait3A_17 = tpu.memref_slice %arg4[%mul3A_4, %dma_wait3A] : memref<2560x128xi32, #tpu.memory_space<hbm>> -> memref<80x128xi32, #tpu.memory_space<hbm>>
      %dma_wait3A_18 = arith.constant 0 : i32
      %dma_wait3A_19 = tpu.memref_slice %arg4[%mul3A_4, %dma_wait3A_18] : memref<2560x128xi32, #tpu.memory_space<hbm>> -> memref<80x128xi32, #tpu.memory_space<hbm>>
      tpu.wait_dma2 semaphore(%run_scoped3A : memref<!tpu.dma_semaphore, #tpu.memory_space<semaphore_mem>>) src(%dma_wait3A_19 : memref<80x128xi32, #tpu.memory_space<hbm>>) dst(%arg8 : memref<80x128xi32, #tpu.memory_space<vmem>>)
      tpu.yield
    }) : () -> ()
    %barrier3A = arith.constant 0 : index
    tpu.barrier barrier_id(%barrier3A)
    %scan3A = arith.constant 0 : i32
    %scan3A_5 = arith.constant 0 : i32
    %scan3A_6 = arith.constant 80 : i32
    %scan3A_7 = arith.addi %scan3A_5, %scan3A_6 : i32
    %scan3A_8 = arith.constant 1 : i32
    scf.for %scan3A_14 = %scan3A_5 to %scan3A_7 step %scan3A_8  : i32 {
      %dma_start3A = arith.constant 0 : i32
      %dma_start3A_15 = tpu.memref_slice %arg7[%scan3A_14, %dma_start3A] : memref<80x128xi32, #tpu.memory_space<vmem>> -> memref<1x128xi32, #tpu.memory_space<vmem>>
      %dma_start3A_16 = tpu.memref_squeeze %dma_start3A_15 : memref<1x128xi32, #tpu.memory_space<vmem>> -> memref<128xi32, #tpu.memory_space<vmem>>
      %dma_start3A_17 = arith.constant 0 : i32
      %dma_start3A_18 = arith.constant 0 : i32
      %dma_start3A_19 = tpu.memref_slice %arg2[%dma_start3A_17, %dma_start3A_18] : memref<10240x40xf32, #tpu.memory_space<hbm>> -> memref<10240x40xf32, #tpu.memory_space<hbm>>
      tpu.enqueue_indirect_dma source(%dma_start3A_19 : memref<10240x40xf32, #tpu.memory_space<hbm>>) target(%arg9 : memref<128x40xf32, #tpu.memory_space<vmem>>) offsets(%dma_start3A_16 : memref<128xi32, #tpu.memory_space<vmem>>) semaphore(%arg11 : memref<!tpu.dma_semaphore, #tpu.memory_space<semaphore_mem>>)
      %dma_wait3A = arith.constant 0 : i32
      %dma_wait3A_20 = tpu.memref_slice %arg7[%scan3A_14, %dma_wait3A] : memref<80x128xi32, #tpu.memory_space<vmem>> -> memref<1x128xi32, #tpu.memory_space<vmem>>
      %dma_wait3A_21 = tpu.memref_squeeze %dma_wait3A_20 : memref<1x128xi32, #tpu.memory_space<vmem>> -> memref<128xi32, #tpu.memory_space<vmem>>
      %dma_wait3A_22 = arith.constant 0 : i32
      %dma_wait3A_23 = arith.constant 0 : i32
      %dma_wait3A_24 = tpu.memref_slice %arg2[%dma_wait3A_22, %dma_wait3A_23] : memref<10240x40xf32, #tpu.memory_space<hbm>> -> memref<10240x40xf32, #tpu.memory_space<hbm>>
      tpu.wait_indirect_dma semaphore(%arg11 : memref<!tpu.dma_semaphore, #tpu.memory_space<semaphore_mem>>) src(%dma_wait3A_24 : memref<10240x40xf32, #tpu.memory_space<hbm>>) dst(%arg9 : memref<128x40xf32, #tpu.memory_space<vmem>>)
      "tpu.region"() ({
        %run_scoped3A = tpu.sem_alloc : memref<!tpu.dma_semaphore, #tpu.memory_space<semaphore_mem>>
        %dma_start3A_25 = arith.constant 0 : i32
        %dma_start3A_26 = tpu.memref_slice %arg8[%scan3A_14, %dma_start3A_25] : memref<80x128xi32, #tpu.memory_space<vmem>> -> memref<1x128xi32, #tpu.memory_space<vmem>>
        %dma_start3A_27 = tpu.memref_squeeze %dma_start3A_26 : memref<1x128xi32, #tpu.memory_space<vmem>> -> memref<128xi32, #tpu.memory_space<vmem>>
        %dma_start3A_28 = arith.constant 0 : i32
        %dma_start3A_29 = arith.constant 0 : i32
        %dma_start3A_30 = tpu.memref_slice %arg10[%dma_start3A_28, %dma_start3A_29] : memref<10240x40xf32, #tpu.memory_space<vmem_shared>> -> memref<10240x40xf32, #tpu.memory_space<vmem_shared>>
        tpu.enqueue_indirect_dma source(%arg9 : memref<128x40xf32, #tpu.memory_space<vmem>>) target(%dma_start3A_30 : memref<10240x40xf32, #tpu.memory_space<vmem_shared>>) offsets(%dma_start3A_27 : memref<128xi32, #tpu.memory_space<vmem>>) semaphore(%run_scoped3A : memref<!tpu.dma_semaphore, #tpu.memory_space<semaphore_mem>>) {add = true}
        %dma_wait3A_31 = arith.constant 0 : i32
        %dma_wait3A_32 = tpu.memref_slice %arg8[%scan3A_14, %dma_wait3A_31] : memref<80x128xi32, #tpu.memory_space<vmem>> -> memref<1x128xi32, #tpu.memory_space<vmem>>
        %dma_wait3A_33 = tpu.memref_squeeze %dma_wait3A_32 : memref<1x128xi32, #tpu.memory_space<vmem>> -> memref<128xi32, #tpu.memory_space<vmem>>
        %dma_wait3A_34 = arith.constant 0 : i32
        %dma_wait3A_35 = arith.constant 0 : i32
        %dma_wait3A_36 = tpu.memref_slice %arg10[%dma_wait3A_34, %dma_wait3A_35] : memref<10240x40xf32, #tpu.memory_space<vmem_shared>> -> memref<10240x40xf32, #tpu.memory_space<vmem_shared>>
        tpu.wait_indirect_dma semaphore(%run_scoped3A : memref<!tpu.dma_semaphore, #tpu.memory_space<semaphore_mem>>) src(%arg9 : memref<128x40xf32, #tpu.memory_space<vmem>>) dst(%dma_wait3A_36 : memref<10240x40xf32, #tpu.memory_space<vmem_shared>>)
        tpu.yield
      }) : () -> ()
    }
    %scan3A_9 = arith.constant 80 : i32
    %barrier3A_10 = arith.constant 0 : index
    tpu.barrier barrier_id(%barrier3A_10)
    %mul3A_11 = arith.constant 10240 : i32
    %mul3A_12 = arith.muli %arg0, %mul3A_11 : i32
    %add3A_13 = arith.addi %mul3A_12, %mul3A_2 : i32
    "tpu.region"() ({
      %run_scoped3A = tpu.sem_alloc : memref<!tpu.dma_semaphore, #tpu.memory_space<semaphore_mem>>
      %dma_start3A = arith.constant 0 : i32
      %dma_start3A_14 = tpu.memref_slice %arg6[%add3A_13, %dma_start3A] : memref<20480x40xf32, #tpu.memory_space<hbm>> -> memref<640x40xf32, #tpu.memory_space<hbm>>
      %dma_start3A_15 = arith.constant 0 : i32
      %dma_start3A_16 = tpu.memref_slice %arg10[%mul3A_2, %dma_start3A_15] : memref<10240x40xf32, #tpu.memory_space<vmem_shared>> -> memref<640x40xf32, #tpu.memory_space<vmem_shared>>
      tpu.enqueue_dma source(%dma_start3A_16 : memref<640x40xf32, #tpu.memory_space<vmem_shared>>) target(%dma_start3A_14 : memref<640x40xf32, #tpu.memory_space<hbm>>) target_semaphore(%run_scoped3A : memref<!tpu.dma_semaphore, #tpu.memory_space<semaphore_mem>>)
      %dma_wait3A = arith.constant 0 : i32
      %dma_wait3A_17 = tpu.memref_slice %arg6[%add3A_13, %dma_wait3A] : memref<20480x40xf32, #tpu.memory_space<hbm>> -> memref<640x40xf32, #tpu.memory_space<hbm>>
      %dma_wait3A_18 = arith.constant 0 : i32
      %dma_wait3A_19 = tpu.memref_slice %arg10[%mul3A_2, %dma_wait3A_18] : memref<10240x40xf32, #tpu.memory_space<vmem_shared>> -> memref<640x40xf32, #tpu.memory_space<vmem_shared>>
      tpu.wait_dma2 semaphore(%run_scoped3A : memref<!tpu.dma_semaphore, #tpu.memory_space<semaphore_mem>>) src(%dma_wait3A_19 : memref<640x40xf32, #tpu.memory_space<vmem_shared>>) dst(%dma_wait3A_17 : memref<640x40xf32, #tpu.memory_space<hbm>>)
      tpu.yield
    }) : () -> ()
    return
  }
}

module attributes {stable_mosaic.version = 14 : i64} {
  func.func @_tc_mm_body(%arg0: i32, %arg1: memref<512x128xf32, #tpu.memory_space<vmem>>, %arg2: memref<128x128xf32, #tpu.memory_space<vmem>>, %arg3: memref<512x128xf32, #tpu.memory_space<vmem>>) attributes {dimension_semantics = [#tpu.dimension_semantics<arbitrary>], iteration_bounds = array<i64: 20>, scalar_prefetch = 0 : i64, scratch_operands = 0 : i64, tpu.core_type = #tpu.core_type<tc>, window_params = [{transform_indices = @transform_0, window_bounds = array<i64: 512, 128>}, {pipeline_mode = #tpu.pipeline_mode<synchronous>, transform_indices = @transform_1, window_bounds = array<i64: 128, 128>}, {transform_indices = @transform_2, window_bounds = array<i64: 512, 128>}]} {
    %get3A = arith.constant 0 : index
    %get3A_0 = arith.constant 0 : index
    %get3A_1 = vector.load %arg1[%get3A, %get3A_0] : memref<512x128xf32, #tpu.memory_space<vmem>>, vector<512x128xf32>
    %get3A_2 = arith.constant 0 : index
    %get3A_3 = arith.constant 0 : index
    %get3A_4 = vector.load %arg2[%get3A_2, %get3A_3] : memref<128x128xf32, #tpu.memory_space<vmem>>, vector<128x128xf32>
    %dot_general3A = arith.constant dense<0.000000e+00> : vector<512x128xf32>
    %dot_general3A_5 = tpu.matmul %get3A_1, %get3A_4, %dot_general3A {dimension_numbers = #tpu.dot_dimension_numbers<[1], [0], [0], [1], [0, 0, 1, 1], [], []>, transpose_lhs_hint = false} : vector<512x128xf32>, vector<128x128xf32>, vector<512x128xf32> -> vector<512x128xf32>
    %swap3A = arith.constant 0 : index
    %swap3A_6 = arith.constant 0 : index
    %swap3A_7 = vector.load %arg3[%swap3A, %swap3A_6] : memref<512x128xf32, #tpu.memory_space<vmem>>, vector<512x128xf32>
    tpu.vector_store %arg3[%swap3A, %swap3A_6], %dot_general3A_5 {strides = array<i32>} : memref<512x128xf32, #tpu.memory_space<vmem>>, vector<512x128xf32>,
    return
  }
  func.func @transform_0(%arg0: i32) -> (i32, i32) {
    %c0_i32 = arith.constant 0 : i32
    %c0_i32_0 = arith.constant 0 : i32
    return %arg0, %c0_i32 : i32, i32
  }
  func.func @transform_1(%arg0: i32) -> (i32, i32) {
    %c0_i32 = arith.constant 0 : i32
    %c0_i32_0 = arith.constant 0 : i32
    %c0_i32_1 = arith.constant 0 : i32
    return %c0_i32, %c0_i32_0 : i32, i32
  }
  func.func @transform_2(%arg0: i32) -> (i32, i32) {
    %c0_i32 = arith.constant 0 : i32
    %c0_i32_0 = arith.constant 0 : i32
    return %arg0, %c0_i32 : i32, i32
  }
}

module attributes {stable_mosaic.version = 14 : i64} {
  func.func @_tc_lsm_body(%arg0: i32, %arg1: memref<512x128xf32, #tpu.memory_space<vmem>>, %arg2: memref<512x128xf32, #tpu.memory_space<vmem>>) attributes {dimension_semantics = [#tpu.dimension_semantics<arbitrary>], iteration_bounds = array<i64: 20>, scalar_prefetch = 0 : i64, scratch_operands = 0 : i64, tpu.core_type = #tpu.core_type<tc>, window_params = [{transform_indices = @transform_0, window_bounds = array<i64: 512, 128>}, {transform_indices = @transform_1, window_bounds = array<i64: 512, 128>}]} {
    %get3A = arith.constant 0 : index
    %get3A_0 = arith.constant 0 : index
    %get3A_1 = vector.load %arg1[%get3A, %get3A_0] : memref<512x128xf32, #tpu.memory_space<vmem>>, vector<512x128xf32>
    %reduce_max3A = arith.constant dense<0xFF800000> : vector<512xf32>
    %reduce_max3A_2 = vector.multi_reduction <maximumf>, %get3A_1, %reduce_max3A [1] : vector<512x128xf32> to vector<512xf32>
    %broadcast_in_dim3A = vector.shape_cast %reduce_max3A_2 : vector<512xf32> to vector<512x1xf32>
    %sub3A = vector.broadcast %broadcast_in_dim3A : vector<512x1xf32> to vector<512x128xf32>
    %sub3A_3 = arith.subf %get3A_1, %sub3A : vector<512x128xf32>
    %exp3A = math.exp %sub3A_3 : vector<512x128xf32>
    %reduce_sum3A = arith.constant dense<0.000000e+00> : vector<512xf32>
    %reduce_sum3A_4 = vector.multi_reduction <add>, %exp3A, %reduce_sum3A [1] : vector<512x128xf32> to vector<512xf32>
    %broadcast_in_dim3A_5 = vector.shape_cast %reduce_sum3A_4 : vector<512xf32> to vector<512x1xf32>
    %log3A = math.log %broadcast_in_dim3A_5 : vector<512x1xf32>
    %sub3A_6 = vector.broadcast %log3A : vector<512x1xf32> to vector<512x128xf32>
    %sub3A_7 = arith.subf %sub3A_3, %sub3A_6 : vector<512x128xf32>
    %swap3A = arith.constant 0 : index
    %swap3A_8 = arith.constant 0 : index
    %swap3A_9 = vector.load %arg2[%swap3A, %swap3A_8] : memref<512x128xf32, #tpu.memory_space<vmem>>, vector<512x128xf32>
    tpu.vector_store %arg2[%swap3A, %swap3A_8], %sub3A_7 {strides = array<i32>} : memref<512x128xf32, #tpu.memory_space<vmem>>, vector<512x128xf32>,
    return
  }
  func.func @transform_0(%arg0: i32) -> (i32, i32) {
    %c0_i32 = arith.constant 0 : i32
    %c0_i32_0 = arith.constant 0 : i32
    return %arg0, %c0_i32 : i32, i32
  }
  func.func @transform_1(%arg0: i32) -> (i32, i32) {
    %c0_i32 = arith.constant 0 : i32
    %c0_i32_0 = arith.constant 0 : i32
    return %arg0, %c0_i32 : i32, i32
  }
}

</mosaic_0001>

<sc_bundles>
// kernel: kernel.11.cloned.1.call-start
scs
__scs_entry_jumppad:
0x0: {  	(pc) =	sbr.rel $0x88, $3  }
0x1: {  	(tag) =	ssettag $0x0;
	lr =	simm.s32 $0x1  }
0x2: {  	[smem:$0x3F9B] =	sst lr;
	_ =	strace $0xD0000000  }
0x3: {  	_ = 	snop  }
0x4: {  	_ = 	snop  }
0x5: {  	_ = 	snop  }
0x6: {  	_ = 	snop  }
0x7: {  	_ = 	snop  }
__scs_overlays_trampoline_lowered:
0x8: {  	[smem:$0x3FAA] =	sst s0  }
0x9: {  	[smem:$0x3FAB] =	sst s1  }
0xa: {  	[smem:$0x3FAC] =	sst s2  }
0xb: {  	[smem:$0x3FAD] =	sst s3  }
0xc: {  	[smem:$0x3FAE] =	sst s4  }
0xd: {  	[smem:$0x3FAF] =	sst s5  }
0xe: {  	[smem:$0x3FB0] =	sst s6  }
0xf: {  	[smem:$0x3FB1] =	sst s7  }
0x10: {  	[smem:$0x3FB2] =	sst s8  }
0x11: {  	[smem:$0x3FB3] =	sst s9;
	s0 =	simm.s32 @!p0 $0x0  }
0x12: {  	s1 =	sld [smem:$0x3F99];
	s0 =	simm.s32 @p0 $0x1  }
0x13: {  	[smem:$0x3FB4] =	sst s0;
	s0 =	simm.s32 @!p1 $0x0  }
0x14: {  	s2 =	sld [smem:$0x3F98];
	s0 =	simm.s32 @p1 $0x1  }
0x15: {  	[smem:$0x3FB5] =	sst s0;
	s0 =	simm.s32 @!p2 $0x0  }
0x16: {  	s3 =	sld [smem:$0x3FDB];
	s0 =	simm.s32 @p2 $0x1  }
0x17: {  	s4 =	simm.s32 $0x1BF5;
	[smem:$0x3FB7] =	sst s0  }
0x18: {  	s0 =	sld [smem:$0x3F9A];
	_ =	swait.ge [sflag:s4], $0x0  }
0x19: {  	s7 =	sld [smem:$0x3F9B]  }
0x1a: {  	s8 =	sadd.s32 $0xFFFFE003, lr  }
0x1b: {  	s9 =	sadd.s32 $0xFFFFFEF7, lr;
	s5 =	simm.s32 $0xFFFFFFFF;
	p2 =	slt.u32 s8, $0xFFFFF086  }
0x1c: {  	p1 =	slt.u32 s9, $0xF7A;
	s5 =	simm.s32 @!p2 $0x0  }
0x1d: {  	s5 =	simm.s32 @p1 $0x1;
	p0 =	seq.s32 s7, s2  }
0x1e: {  	s7 =	smul.u32 @!p0 $0xF7A, s2;
	p2 =	seq.s32 @!p0 s5, $0x0  }
0x1f: {  	s9 =	smul.u32 $0xF7A, s1;
	s8 =	simm.s32 @!p0 $0x1BF5;
	p2 =	por !p2, p0  }
0x20: {  	[sflag:s8] =	ssyncset.s32 @!p0 $0xFFFFF086;
	s6 =	sadd.s32 @!p0 s3, s7;
	s7 =	simm.s32 @!p0 $0x108  }
0x21: {  	s3 =	sadd.s32 s3, s9;
	s6 =	sadd.s32 @!p0 $0x88, s6;
	s7 =	simm.s32 @p2 $0x1082  }
0x22: {  	[simem:s7], [sflag:s8] =	dma.local @!p0 [hbm:s6], $0xF7A  }
0x23: {  	s9 =	sor.u32 $0xD0000000, s2;
	s6 =	simm.s32 $0x108;
	_ =	swait.ge @!p0 [sflag:s8], $0x0  }
0x24: {  	s3 =	sadd.s32 $0x88, s3;
	s6 =	simm.s32 @!p1 $0x1082;
	[sflag:s4] =	ssyncset.s32 $0xFFFFF086  }
0x25: {  	[simem:s6], [sflag:s4] =	dma.local [hbm:s3], $0xF7A  }
0x26: {  	[smem:$0x3F9B] =	sst s1;
	(tag) =	ssettag s2;
	_ =	strace s9  }
0x27: {  	s1 =	sld [smem:$0x3FAB]  }
0x28: {  	s2 =	sld [smem:$0x3FAC]  }
0x29: {  	s4 =	sld [smem:$0x3FAE]  }
0x2a: {  	p0 =	seq.s32 s5, $0x0;
	s5 =	sld [smem:$0x3FAF]  }
0x2b: {  	s6 =	sld [smem:$0x3FB0]  }
0x2c: {  	s7 =	sld [smem:$0x3FB1]  }
0x2d: {  	s3 =	simm.s32 $0x108;
	s8 =	sld [smem:$0x3FB2]  }
0x2e: {  	s3 =	simm.s32 @!p0 $0x1082;
	s9 =	sld [smem:$0x3FB3]  }
0x2f: {  	lr =	sadd.s32 s0, s3;
	s0 =	sld [smem:$0x3FAA]  }
0x30: {  	s3 =	sld [smem:$0x3FAD]  }
0x31: {  	[smem:$0x3FB6] =	sst s10  }
0x32: {  	s10 =	sld [smem:$0x3FB4];
	_ =	sdelay $0x3  }
0x33: {  	p0 =	seq.s32 s10, $0x1;
	s10 =	sld [smem:$0x3FB6];
	_ =	sdelay $0x3  }
0x34: {  	[smem:$0x3FB6] =	sst s10  }
0x35: {  	s10 =	sld [smem:$0x3FB5];
	_ =	sdelay $0x3  }
0x36: {  	p1 =	seq.s32 s10, $0x1;
	s10 =	sld [smem:$0x3FB6];
	_ =	sdelay $0x3  }
0x37: {  	[smem:$0x3FB6] =	sst s10  }
0x38: {  	s10 =	sld [smem:$0x3FB7]  }
0x39: {  	_ = 	snop;
	(pc) =	sbr.ind lr, $3  }
0x3a: {  	_ = 	snop  }
0x3b: {  	_ = 	snop  }
0x3c: {  	p2 =	seq.s32 s10, $0x1;
	s10 =	sld [smem:$0x3FB6]  }
0x3d: {  	_ =	shalt  }
0x3e: {  	_ =	shalt  }
0x3f: {  	_ =	shalt  }
0x40: {  	_ =	shalt  }
0x41: {  	_ =	shalt  }
0x42: {  	_ =	shalt  }
0x43: {  	_ =	shalt  }
0x44: {  	_ =	shalt  }
0x45: {  	_ =	shalt  }
0x46: {  	_ =	shalt  }
0x47: {  	_ =	shalt  }
0x48: {  	_ =	shalt  }
0x49: {  	_ =	shalt  }
0x4a: {  	_ =	shalt  }
0x4b: {  	_ =	shalt  }
0x4c: {  	_ =	shalt  }
0x4d: {  	_ =	shalt  }
0x4e: {  	_ =	shalt  }
0x4f: {  	_ =	shalt  }
0x50: {  	_ =	shalt  }
0x51: {  	_ =	shalt  }
0x52: {  	_ =	shalt  }
0x53: {  	_ =	shalt  }
0x54: {  	_ =	shalt  }
0x55: {  	_ =	shalt  }
0x56: {  	_ =	shalt  }
0x57: {  	_ =	shalt  }
0x58: {  	_ =	shalt  }
0x59: {  	_ =	shalt  }
0x5a: {  	_ =	shalt  }
0x5b: {  	_ =	shalt  }
0x5c: {  	_ =	shalt  }
0x5d: {  	_ =	shalt  }
0x5e: {  	_ =	shalt  }
0x5f: {  	_ =	shalt  }
0x60: {  	_ =	shalt  }
0x61: {  	_ =	shalt  }
0x62: {  	_ =	shalt  }
0x63: {  	_ =	shalt  }
0x64: {  	_ =	shalt  }
0x65: {  	_ =	shalt  }
0x66: {  	_ =	shalt  }
0x67: {  	_ =	shalt  }
0x68: {  	_ =	shalt  }
0x69: {  	_ =	shalt  }
0x6a: {  	_ =	shalt  }
0x6b: {  	_ =	shalt  }
0x6c: {  	_ =	shalt  }
0x6d: {  	_ =	shalt  }
0x6e: {  	_ =	shalt  }
0x6f: {  	_ =	shalt  }
0x70: {  	_ =	shalt  }
0x71: {  	_ =	shalt  }
0x72: {  	_ =	shalt  }
0x73: {  	_ =	shalt  }
0x74: {  	_ =	shalt  }
0x75: {  	_ =	shalt  }
0x76: {  	_ =	shalt  }
0x77: {  	_ =	shalt  }
0x78: {  	_ =	shalt  }
0x79: {  	_ =	shalt  }
0x7a: {  	_ =	shalt  }
0x7b: {  	_ =	shalt  }
0x7c: {  	_ =	shalt  }
0x7d: {  	_ =	shalt  }
0x7e: {  	_ =	shalt  }
0x7f: {  	_ =	shalt  }
0x80: {  	_ =	shalt  }
0x81: {  	_ =	shalt  }
0x82: {  	_ =	shalt  }
0x83: {  	_ =	shalt  }
0x84: {  	_ =	shalt  }
0x85: {  	_ =	shalt  }
0x86: {  	_ =	shalt  }
0x87: {  	_ =	shalt  }
.Lfunc_end0:
.L_simem_size_0:
called_computation.1_lowered:
.L_overlay_start_0:
0x88: {  	s2 =	sld [smem:$0x3FD9]  }
0x89: {  	s3 =	sld [smem:$0x3FFE];
	_ =	sdelay $0x1  }
0x8a: {  	s1 =	srdreg.scid  }
0x8b: {  	s0 =	sand.u32 $0x1, s1  }
0x8c: {  	s17 =	sshll.u32 s0, $0xA;
	s2 =	sadd.s32 s3, s2  }
0x8d: {  	s2 =	sadd.s32 s2, s17  }
0x8e: {  	[smem:$0x3FC2] =	sst s2  }
0x8f: {  	_ = 	snop  }
0x90: {  	s2 =	sld [smem:$0x3FD0];
	(tm) =	ssettm $0x1  }
0x91: {  	s18 =	sld [smem:$0x3FFB];
	_ =	sdelay $0x3  }
0x92: {  	_ =	strace s18  }
0x93: {  	s3 =	sld [smem:$0x3FFC];
	_ =	sdelay $0x3  }
0x94: {  	_ =	strace s3  }
0x95: {  	s3 =	sld [smem:$0x3FFD];
	_ =	sdelay $0x3  }
0x96: {  	_ =	strace s3  }
0x97: {  	_ =	strace $0x8FFFFFFF  }
0x98: {  	s19 =	sld [smem:$0x3FDB];
	_ =	sdelay $0x1  }
0x99: {  	s4 =	simm.s32 $_scs_section_size  }
0x9a: {  	s5 =	simm.s32 $_size__tile_overlayer_lowered;
	s6 =	simm.s32 $_tile_overlayer_lowered  }
0x9b: {  	s22 =	simm.s32 $0x1BFF;
	s21 =	sshll.u32 s6, $0x1;
	s3 =	sadd.s32 s4, s19  }
0x9c: {  	s7 =	simm.s32 $0x0;
	s20 =	sshll.u32 s5, $0x1;
	s5 =	sadd.s32 s21, s3  }
0x9d: {  	[timem:s7], [sflag:s22] =	dma.local [hbm:s5], s20  }
0x9e: {  	_ =	swait.ge [sflag:s22], s20  }
0x9f: {  	s4 =	ssub.s32 $0x0, s20;
	[sflag:s22] =	ssyncset.done $0x0  }
0xa0: {  	[sflag:s22] =	ssyncadd.s32 s4;
	_ =	sdelay $0x1  }
0xa1: {  	s23 =	simm.s32 $0x1B8B  }
0xa2: {  	_ =	swait.ge [sflag:s23], $0x1  }
0xa3: {  	[sflag:s23] =	ssyncset.done $0x0  }
0xa4: {  	s25 =	simm.s32 $0x1B8E;
	s24 =	sld [smem:$0x3FFE];
	[sflag:s23] =	ssyncadd.s32 $0xFFFFFFFF  }
0xa5: {  	s26 =	simm.s32 $execute0_lowered;
	[smem:$0x3FD2] =	sst s25  }
0xa6: {  	s5 =	sshll.u32 s26, $0x1;
	_ =	strace $0x80000049;
	[dreg:$0x1] =	wrdreg $0xFFFFFFFF  }
0xa7: {  	s28 =	simm.s32 $_size_execute0_lowered;
	s3 =	sadd.s32 s3, s5;
	[dreg:$0x0] =	wrdreg $0x0  }
0xa8: {  	s5 =	sshll.u32 s28, $0x1;
	[dreg:$0x2] =	wrdreg s3  }
0xa9: {  	[dreg:$0x3] =	wrdreg s5  }
0xaa: {  	[dreg:$0x4] =	wrdreg $0xC0  }
0xab: {  	_ =	task [dreg:s7], $0x5FFFF  }
0xac: {  	[dreg:$0x1] =	wrdreg $0xFFFFFFFF  }
0xad: {  	[dreg:$0x0] =	wrdreg $0x60  }
0xae: {  	[dreg:$0x2] =	wrdreg s24  }
0xaf: {  	[dreg:$0x3] =	wrdreg s2  }
0xb0: {  	[dreg:$0x4] =	wrdreg $0x60000  }
0xb1: {  	[dreg:$0x5] =	wrdreg $0x9  }
0xb2: {  	_ =	task.clear_ibuf [dreg:s7], $0x6FFFF;
	_ =	strace $0x90000049  }
0xb3: {  	s29 =	simm.s32 $0x9;
	_ =	strace $0x8000004B  }
0xb4: {  	_ =	swait.ge [sflag:s29], $0x1  }
0xb5: {  	[sflag:s29] =	ssyncadd.s32 $0xFFFFFFFF  }
0xb6: {  	_ =	strace $0x9000004B  }
0xb7: {  	_ =	sfence  }
0xb8: {  	s30 =	sld [smem:$0x0];
	_ =	sdelay $0x2  }
0xb9: {  	s31 =	sshll.u32 s1, $0xD;
	s1 =	sshrl.u32 s1, $0x2  }
0xba: {  	s3 =	sand.u32 $0x4000, s31;
	s1 =	sadd.s32 s1, s30  }
0xbb: {  	s0 =	sor.u32 s3, s0;
	s1 =	sshll.u32 s1, $0x11  }
0xbc: {  	s0 =	sor.u32 s1, s0  }
0xbd: {  	s0 =	sadd.s32 $0x8F2B, s0  }
0xbe: {  	[sflag:s0] =	ssyncadd.remote.s32 $0x1  }
0xbf: {  	_ =	sfence.sel $0xFFFF  }
0xc0: {  	[dreg:$0x0] =	wrdreg $0xFFFFFFFF;
	(pc) =	sbr.abs _section_cstart, $3  }
0xc1: {  	[dreg:$0x1] =	wrdreg $0xFFFFFFFF  }
0xc2: {  	_ =	task.clear_ibuf [dreg:s7], $0x2FFFF;
	_ =	strace $0x9FFFFFFF  }
0xc3: {  	(tm) =	ssettm $0x7FFFFFFF  }
tec
execute0_lowered:
.L_overlay_start_1:
0x0: {  	(tag) =	ssettag $0x1  }
0x1: {  	s6 =	rddreg [dreg:$0x0]  }
0x2: {  	s0 =	srdreg.scid;
	s8 =	rddreg [dreg:$0x1]  }
0x3: {  	s2 =	rddreg [dreg:$0x2];
	s3 =	simm.s32 $0x0;
	s14 =	simm.s32 $0x80  }
0x4: {  	s15 =	simm.s32 $0x5000;
	s7 =	sand.u32 $0x1, s0;
	s0 =	stileid.u32  }
0x5: {  	s16 =	simm.s32 $0x1;
	s17 =	simm.s32 $0x0;
	s10 =	smul.u32 $0xA00, s0  }
0x6: {  	[smem:$0x7FF] =	sst s3;
	s5 =	sadd.s32 $0x800, s6;
	s11 =	smul.u32 $0xA000, s7  }
0x7: {  	s1 =	sshll.u32 s7, $0x4;
	s13 =	smul.u32 $0x14000, s0;
	s7 =	ssub.s32 $0x2, s7  }
0x8: {  	s31 =	sshll.u32 s0, $0x6;
	s4 =	sor.u32 s0, s1;
	s1 =	rddreg [dreg:$0x3]  }
0x9: {  	_ =	strace $0x8000004A;
	s28 =	sshrl.u32 s7, $0x1;
	s9 =	smul.u32 $0x500, s4  }
0xa: {  	s4 =	sadd.s32 $0xFE00, s6;
	s10 =	sadd.s32 s10, s11;
	s29 =	sshrl.u32 s13, $0x2  }
0xb: {  	s30 =	ssub.s32 s7, s28;
	s13 =	simm.s32 $0x2800;
	s10 =	sadd.s32 s10, s6  }
0xc: {  	s11 =	sadd.s32 s29, s2;
	s12 =	sadd.s32 s9, s6;
	s6 =	sor.u32 $0x1C02, s31  }
0xd: {  	s8 =	sadd.s32 s8, s9;
	s9 =	sadd.s32 $0x19E00, s10;
	s10 =	smax.u32 s30, $0x1  }
0xe: {  	s11 =	sshrl.u32 s11, $0x3;
	s7 =	sadd.s32 $0x5E00, s12;
	s12 =	simm.s32 $0x2  }
.LBB2_1:
0xf: {  	[spmem:s11], [sflag:s6] =	dma.local [hbm:s5], $0xA00  }
0x10: {  	_ =	swait.ge [sflag:s12], $0xA00  }
0x11: {  	[sflag:s12] =	ssyncset.done $0x0  }
0x12: {  	[sflag:s12] =	ssyncadd.s32 $0xFFFFF600  }
0x13: {  	[tilespmem:s3], [sflag:$0x2] =	stream.linear.gather [hbm4b:s7+s3], $0x2800, $0x38;
	[tilespmem:$0xB000] =	vst v63  }
0x14: {  	_ =	swait.ge [sflag:s12], $0x2800  }
0x15: {  	[sflag:s12] =	ssyncset.done $0x0  }
0x16: {  	[sflag:s12] =	ssyncadd.s32 $0xFFFFD800  }
0x17: {  	[tilespmem:s13], [sflag:$0x2] =	stream.linear.gather [hbm4b:s8+s3], $0x2800, $0x38;
	[tilespmem:$0xB000] =	vst v63  }
0x18: {  	_ =	swait.ge [sflag:s12], $0x2800  }
0x19: {  	[sflag:s12] =	ssyncset.done $0x0  }
0x1a: {  	[sflag:s12] =	ssyncadd.s32 $0xFFFFD800  }
0x1b: {  	s18 =	simm.s32 $0x0;
	[bflag:$0x0] =	sbarrier.arrive $0xFFFF  }
0x1c: {  	[tilespmem:s15], [sflag:$0x1] =	stream.indirect.gather [hbm4b:s4+s14], $0x20, s18, s14, $0xb8;
	[tilespmem:$0xB000] =	vst v63  }
0x1d: {  	_ =	swait.ge [sflag:s16], $0x1000  }
0x1e: {  	[sflag:s16] =	ssyncset.done $0x0  }
0x1f: {  	s31 =	simm.s32 $0x2800;
	[sflag:s16] =	ssyncadd.s32 $0xFFFFF000  }
0x20: {  	[spmem:s2] =	stream.indirect.scatter.add.f32 [tilespmem:s15], [sflag:$0x2], $0x20, s31, s14, $0xb8;
	[tilespmem:$0xB000] =	vst v63  }
0x21: {  	_ =	swait.ge [sflag:s12], $0x1000  }
0x22: {  	s19 =	simm.s32 $0x400;
	s18 =	simm.s32 $0x200;
	[sflag:s12] =	ssyncset.done $0x0  }
.LBB2_2:
0x23: {  	s20 =	sshra.s32 s18, $0x2  }
0x24: {  	[sflag:s12] =	ssyncadd.s32 $0xFFFFF000;
	s18 =	smov.u32 s19;
	s21 =	sadd.s32 $0x200, s19  }
0x25: {  	[tilespmem:s15], [sflag:$0x1] =	stream.indirect.gather [hbm4b:s4+s14], $0x20, s20, s14, $0xb8;
	[tilespmem:$0xB000] =	vst v63  }
0x26: {  	p0 =	sne.s32 s19, $0x9E00;
	_ =	swait.ge [sflag:s16], $0x1000  }
.Ltmp0:
0x27: {  	[sflag:s16] =	ssyncset.done $0x0;
	(pc) =	sbr.rel @p0 .LBB2_2-.Ltmp0, $4  }
0x28: {  	s19 =	sadd.s32 $0x2800, s20;
	[sflag:s16] =	ssyncadd.s32 $0xFFFFF000  }
0x29: {  	[spmem:s2] =	stream.indirect.scatter.add.f32 [tilespmem:s15], [sflag:$0x2], $0x20, s19, s14, $0xb8;
	[tilespmem:$0xB000] =	vst v63  }
0x2a: {  	_ =	swait.ge [sflag:s12], $0x1000  }
0x2b: {  	s19 =	smov.u32 s21;
	[sflag:s12] =	ssyncset.done $0x0  }
0x2c: {  	s18 =	sshra.s32 s18, $0x2;
	[sflag:s12] =	ssyncadd.s32 $0xFFFFF000  }
0x2d: {  	[tilespmem:s15], [sflag:$0x1] =	stream.indirect.gather [hbm4b:s4+s14], $0x20, s18, s14, $0xb8;
	[tilespmem:$0xB000] =	vst v63  }
0x2e: {  	_ =	swait.ge [sflag:s16], $0x1000  }
0x2f: {  	[sflag:s16] =	ssyncset.done $0x0  }
0x30: {  	s18 =	sadd.s32 $0x2800, s18;
	[sflag:s16] =	ssyncadd.s32 $0xFFFFF000  }
0x31: {  	[spmem:s2] =	stream.indirect.scatter.add.f32 [tilespmem:s15], [sflag:$0x2], $0x20, s18, s14, $0xb8;
	[tilespmem:$0xB000] =	vst v63  }
0x32: {  	_ =	swait.ge [sflag:s12], $0x1000  }
0x33: {  	s17 =	sadd.s32 $0x1, s17;
	[sflag:s12] =	ssyncset.done $0x0  }
0x34: {  	p0 =	sne.s32 s17, s10;
	[sflag:s12] =	ssyncadd.s32 $0xFFFFF000  }
.Ltmp1:
0x35: {  	[bflag:$0x0] =	sbarrier.arrive $0xFFFF;
	(pc) =	sbr.rel @p0 .LBB2_1-.Ltmp1, $4  }
0x36: {  	[hbm:s9], [sflag:s6] =	dma.local [spmem:s11], $0xA00  }
0x37: {  	_ =	swait.ge [sflag:s12], $0xA00  }
0x38: {  	[sflag:s12] =	ssyncset.done $0x0  }
0x39: {  	[sflag:s12] =	ssyncadd.s32 $0xFFFFF600  }
0x3a: {  	_ =	sfence.sel $0x180000  }
0x3b: {  	[bflag:$0x0] =	sbarrier.arrive $0xFFFF  }
0x3c: {  	p0 =	sne.s32 s0, $0x0;
	_ =	strace $0x9000004A  }
0x3d: {  	s0 =	sadd.s32 @!p0 $0x100000, s1;
	[bflag:$0x2] =	sbarrier.arrive $0xFFFF  }
0x3e: {  	[sflag:s0] =	ssyncadd.tile.s32 @!p0 $0x1;
	_ =	shalt  }
.Lfunc_end2:
_tile_overlayer_lowered:
.L_overlay_start_2:
0x3f: {  	(tag) =	ssettag $0x2  }
0x40: {  	s0 =	rddreg [dreg:$0x0];
	s2 =	stileid.u32  }
0x41: {  	s1 =	rddreg [dreg:$0x1];
	p0 =	sne.s32 s2, $0x0  }
0x42: {  	s3 =	rddreg [dreg:$0x2];
	[bflag:$0x3] =	sbarrier.arrive $0xFFFF;
	s2 =	simm.s32 @!p0 $0x1C02  }
0x43: {  	[timem:s3], [sflag:s2] =	dma.local @!p0 [hbm:s0], s1  }
0x44: {  	s0 =	simm.s32 @!p0 $0x2  }
0x45: {  	_ =	swait.ge @!p0 [sflag:s0], s1  }
0x46: {  	s1 =	ssub.s32 @!p0 $0x0, s1;
	[sflag:s0] =	ssyncset.done @!p0 $0x0  }
0x47: {  	[sflag:s0] =	ssyncadd.s32 @!p0 s1  }
0x48: {  	[bflag:$0x3] =	sbarrier.arrive $0xFFFF  }
0x49: {  	_ =	shalt  }

// kernel: kernel.14.cloned.1.call-start
scs
__scs_entry_jumppad:
0x0: {  	(pc) =	sbr.rel $0x88, $3  }
0x1: {  	(tag) =	ssettag $0x0;
	lr =	simm.s32 $0x1  }
0x2: {  	[smem:$0x3F9B] =	sst lr;
	_ =	strace $0xD0000000  }
0x3: {  	_ = 	snop  }
0x4: {  	_ = 	snop  }
0x5: {  	_ = 	snop  }
0x6: {  	_ = 	snop  }
0x7: {  	_ = 	snop  }
__scs_overlays_trampoline_lowered:
0x8: {  	[smem:$0x3FAA] =	sst s0  }
0x9: {  	[smem:$0x3FAB] =	sst s1  }
0xa: {  	[smem:$0x3FAC] =	sst s2  }
0xb: {  	[smem:$0x3FAD] =	sst s3  }
0xc: {  	[smem:$0x3FAE] =	sst s4  }
0xd: {  	[smem:$0x3FAF] =	sst s5  }
0xe: {  	[smem:$0x3FB0] =	sst s6  }
0xf: {  	[smem:$0x3FB1] =	sst s7  }
0x10: {  	[smem:$0x3FB2] =	sst s8  }
0x11: {  	[smem:$0x3FB3] =	sst s9;
	s0 =	simm.s32 @!p0 $0x0  }
0x12: {  	s1 =	sld [smem:$0x3F99];
	s0 =	simm.s32 @p0 $0x1  }
0x13: {  	[smem:$0x3FB4] =	sst s0;
	s0 =	simm.s32 @!p1 $0x0  }
0x14: {  	s2 =	sld [smem:$0x3F98];
	s0 =	simm.s32 @p1 $0x1  }
0x15: {  	[smem:$0x3FB5] =	sst s0;
	s0 =	simm.s32 @!p2 $0x0  }
0x16: {  	s3 =	sld [smem:$0x3FDB];
	s0 =	simm.s32 @p2 $0x1  }
0x17: {  	s4 =	simm.s32 $0x1BF5;
	[smem:$0x3FB7] =	sst s0  }
0x18: {  	s0 =	sld [smem:$0x3F9A];
	_ =	swait.ge [sflag:s4], $0x0  }
0x19: {  	s7 =	sld [smem:$0x3F9B]  }
0x1a: {  	s8 =	sadd.s32 $0xFFFFE003, lr  }
0x1b: {  	s9 =	sadd.s32 $0xFFFFFEF7, lr;
	s5 =	simm.s32 $0xFFFFFFFF;
	p2 =	slt.u32 s8, $0xFFFFF086  }
0x1c: {  	p1 =	slt.u32 s9, $0xF7A;
	s5 =	simm.s32 @!p2 $0x0  }
0x1d: {  	s5 =	simm.s32 @p1 $0x1;
	p0 =	seq.s32 s7, s2  }
0x1e: {  	s7 =	smul.u32 @!p0 $0xF7A, s2;
	p2 =	seq.s32 @!p0 s5, $0x0  }
0x1f: {  	s9 =	smul.u32 $0xF7A, s1;
	s8 =	simm.s32 @!p0 $0x1BF5;
	p2 =	por !p2, p0  }
0x20: {  	[sflag:s8] =	ssyncset.s32 @!p0 $0xFFFFF086;
	s6 =	sadd.s32 @!p0 s3, s7;
	s7 =	simm.s32 @!p0 $0x108  }
0x21: {  	s3 =	sadd.s32 s3, s9;
	s6 =	sadd.s32 @!p0 $0x88, s6;
	s7 =	simm.s32 @p2 $0x1082  }
0x22: {  	[simem:s7], [sflag:s8] =	dma.local @!p0 [hbm:s6], $0xF7A  }
0x23: {  	s9 =	sor.u32 $0xD0000000, s2;
	s6 =	simm.s32 $0x108;
	_ =	swait.ge @!p0 [sflag:s8], $0x0  }
0x24: {  	s3 =	sadd.s32 $0x88, s3;
	s6 =	simm.s32 @!p1 $0x1082;
	[sflag:s4] =	ssyncset.s32 $0xFFFFF086  }
0x25: {  	[simem:s6], [sflag:s4] =	dma.local [hbm:s3], $0xF7A  }
0x26: {  	[smem:$0x3F9B] =	sst s1;
	(tag) =	ssettag s2;
	_ =	strace s9  }
0x27: {  	s1 =	sld [smem:$0x3FAB]  }
0x28: {  	s2 =	sld [smem:$0x3FAC]  }
0x29: {  	s4 =	sld [smem:$0x3FAE]  }
0x2a: {  	p0 =	seq.s32 s5, $0x0;
	s5 =	sld [smem:$0x3FAF]  }
0x2b: {  	s6 =	sld [smem:$0x3FB0]  }
0x2c: {  	s7 =	sld [smem:$0x3FB1]  }
0x2d: {  	s3 =	simm.s32 $0x108;
	s8 =	sld [smem:$0x3FB2]  }
0x2e: {  	s3 =	simm.s32 @!p0 $0x1082;
	s9 =	sld [smem:$0x3FB3]  }
0x2f: {  	lr =	sadd.s32 s0, s3;
	s0 =	sld [smem:$0x3FAA]  }
0x30: {  	s3 =	sld [smem:$0x3FAD]  }
0x31: {  	[smem:$0x3FB6] =	sst s10  }
0x32: {  	s10 =	sld [smem:$0x3FB4];
	_ =	sdelay $0x3  }
0x33: {  	p0 =	seq.s32 s10, $0x1;
	s10 =	sld [smem:$0x3FB6];
	_ =	sdelay $0x3  }
0x34: {  	[smem:$0x3FB6] =	sst s10  }
0x35: {  	s10 =	sld [smem:$0x3FB5];
	_ =	sdelay $0x3  }
0x36: {  	p1 =	seq.s32 s10, $0x1;
	s10 =	sld [smem:$0x3FB6];
	_ =	sdelay $0x3  }
0x37: {  	[smem:$0x3FB6] =	sst s10  }
0x38: {  	s10 =	sld [smem:$0x3FB7]  }
0x39: {  	_ = 	snop;
	(pc) =	sbr.ind lr, $3  }
0x3a: {  	_ = 	snop  }
0x3b: {  	_ = 	snop  }
0x3c: {  	p2 =	seq.s32 s10, $0x1;
	s10 =	sld [smem:$0x3FB6]  }
0x3d: {  	_ =	shalt  }
0x3e: {  	_ =	shalt  }
0x3f: {  	_ =	shalt  }
0x40: {  	_ =	shalt  }
0x41: {  	_ =	shalt  }
0x42: {  	_ =	shalt  }
0x43: {  	_ =	shalt  }
0x44: {  	_ =	shalt  }
0x45: {  	_ =	shalt  }
0x46: {  	_ =	shalt  }
0x47: {  	_ =	shalt  }
0x48: {  	_ =	shalt  }
0x49: {  	_ =	shalt  }
0x4a: {  	_ =	shalt  }
0x4b: {  	_ =	shalt  }
0x4c: {  	_ =	shalt  }
0x4d: {  	_ =	shalt  }
0x4e: {  	_ =	shalt  }
0x4f: {  	_ =	shalt  }
0x50: {  	_ =	shalt  }
0x51: {  	_ =	shalt  }
0x52: {  	_ =	shalt  }
0x53: {  	_ =	shalt  }
0x54: {  	_ =	shalt  }
0x55: {  	_ =	shalt  }
0x56: {  	_ =	shalt  }
0x57: {  	_ =	shalt  }
0x58: {  	_ =	shalt  }
0x59: {  	_ =	shalt  }
0x5a: {  	_ =	shalt  }
0x5b: {  	_ =	shalt  }
0x5c: {  	_ =	shalt  }
0x5d: {  	_ =	shalt  }
0x5e: {  	_ =	shalt  }
0x5f: {  	_ =	shalt  }
0x60: {  	_ =	shalt  }
0x61: {  	_ =	shalt  }
0x62: {  	_ =	shalt  }
0x63: {  	_ =	shalt  }
0x64: {  	_ =	shalt  }
0x65: {  	_ =	shalt  }
0x66: {  	_ =	shalt  }
0x67: {  	_ =	shalt  }
0x68: {  	_ =	shalt  }
0x69: {  	_ =	shalt  }
0x6a: {  	_ =	shalt  }
0x6b: {  	_ =	shalt  }
0x6c: {  	_ =	shalt  }
0x6d: {  	_ =	shalt  }
0x6e: {  	_ =	shalt  }
0x6f: {  	_ =	shalt  }
0x70: {  	_ =	shalt  }
0x71: {  	_ =	shalt  }
0x72: {  	_ =	shalt  }
0x73: {  	_ =	shalt  }
0x74: {  	_ =	shalt  }
0x75: {  	_ =	shalt  }
0x76: {  	_ =	shalt  }
0x77: {  	_ =	shalt  }
0x78: {  	_ =	shalt  }
0x79: {  	_ =	shalt  }
0x7a: {  	_ =	shalt  }
0x7b: {  	_ =	shalt  }
0x7c: {  	_ =	shalt  }
0x7d: {  	_ =	shalt  }
0x7e: {  	_ =	shalt  }
0x7f: {  	_ =	shalt  }
0x80: {  	_ =	shalt  }
0x81: {  	_ =	shalt  }
0x82: {  	_ =	shalt  }
0x83: {  	_ =	shalt  }
0x84: {  	_ =	shalt  }
0x85: {  	_ =	shalt  }
0x86: {  	_ =	shalt  }
0x87: {  	_ =	shalt  }
.Lfunc_end0:
.L_simem_size_0:
called_computation.2_lowered:
.L_overlay_start_0:
0x88: {  	s2 =	sld [smem:$0x3FD9]  }
0x89: {  	s3 =	sld [smem:$0x3FFE];
	_ =	sdelay $0x1  }
0x8a: {  	s1 =	srdreg.scid  }
0x8b: {  	s0 =	sand.u32 $0x1, s1  }
0x8c: {  	s17 =	sshll.u32 s0, $0xA;
	s2 =	sadd.s32 s3, s2  }
0x8d: {  	s2 =	sadd.s32 s2, s17  }
0x8e: {  	[smem:$0x3FC2] =	sst s2  }
0x8f: {  	_ = 	snop  }
0x90: {  	s2 =	sld [smem:$0x3FD0];
	(tm) =	ssettm $0x1  }
0x91: {  	s18 =	sld [smem:$0x3FFB];
	_ =	sdelay $0x3  }
0x92: {  	_ =	strace s18  }
0x93: {  	s3 =	sld [smem:$0x3FFC];
	_ =	sdelay $0x3  }
0x94: {  	_ =	strace s3  }
0x95: {  	s3 =	sld [smem:$0x3FFD];
	_ =	sdelay $0x3  }
0x96: {  	_ =	strace s3  }
0x97: {  	_ =	strace $0x8FFFFFFF  }
0x98: {  	s19 =	sld [smem:$0x3FDB];
	_ =	sdelay $0x1  }
0x99: {  	s4 =	simm.s32 $_scs_section_size  }
0x9a: {  	s5 =	simm.s32 $_size__tile_overlayer_lowered;
	s6 =	simm.s32 $_tile_overlayer_lowered  }
0x9b: {  	s22 =	simm.s32 $0x1BFF;
	s21 =	sshll.u32 s6, $0x1;
	s3 =	sadd.s32 s4, s19  }
0x9c: {  	s7 =	simm.s32 $0x0;
	s20 =	sshll.u32 s5, $0x1;
	s5 =	sadd.s32 s21, s3  }
0x9d: {  	[timem:s7], [sflag:s22] =	dma.local [hbm:s5], s20  }
0x9e: {  	_ =	swait.ge [sflag:s22], s20  }
0x9f: {  	s4 =	ssub.s32 $0x0, s20;
	[sflag:s22] =	ssyncset.done $0x0  }
0xa0: {  	[sflag:s22] =	ssyncadd.s32 s4;
	_ =	sdelay $0x1  }
0xa1: {  	s23 =	simm.s32 $0x1B8B  }
0xa2: {  	_ =	swait.ge [sflag:s23], $0x1  }
0xa3: {  	[sflag:s23] =	ssyncset.done $0x0  }
0xa4: {  	s25 =	simm.s32 $0x1B8E;
	s24 =	sld [smem:$0x3FFE];
	[sflag:s23] =	ssyncadd.s32 $0xFFFFFFFF  }
0xa5: {  	s26 =	simm.s32 $execute0_lowered;
	[smem:$0x3FD2] =	sst s25  }
0xa6: {  	s5 =	sshll.u32 s26, $0x1;
	_ =	strace $0x8000004C;
	[dreg:$0x1] =	wrdreg $0xFFFFFFFF  }
0xa7: {  	s28 =	simm.s32 $_size_execute0_lowered;
	s3 =	sadd.s32 s3, s5;
	[dreg:$0x0] =	wrdreg $0x0  }
0xa8: {  	s5 =	sshll.u32 s28, $0x1;
	[dreg:$0x2] =	wrdreg s3  }
0xa9: {  	[dreg:$0x3] =	wrdreg s5  }
0xaa: {  	[dreg:$0x4] =	wrdreg $0xC0  }
0xab: {  	_ =	task [dreg:s7], $0x5FFFF  }
0xac: {  	[dreg:$0x1] =	wrdreg $0xFFFFFFFF  }
0xad: {  	[dreg:$0x0] =	wrdreg $0x60  }
0xae: {  	[dreg:$0x2] =	wrdreg s24  }
0xaf: {  	[dreg:$0x3] =	wrdreg s2  }
0xb0: {  	[dreg:$0x4] =	wrdreg $0x64000  }
0xb1: {  	[dreg:$0x5] =	wrdreg $0x9  }
0xb2: {  	_ =	task.clear_ibuf [dreg:s7], $0x6FFFF;
	_ =	strace $0x9000004C  }
0xb3: {  	s29 =	simm.s32 $0x9;
	_ =	strace $0x8000004E  }
0xb4: {  	_ =	swait.ge [sflag:s29], $0x1  }
0xb5: {  	[sflag:s29] =	ssyncadd.s32 $0xFFFFFFFF  }
0xb6: {  	_ =	strace $0x9000004E  }
0xb7: {  	_ =	sfence  }
0xb8: {  	s30 =	sld [smem:$0x0];
	_ =	sdelay $0x2  }
0xb9: {  	s31 =	sshll.u32 s1, $0xD;
	s1 =	sshrl.u32 s1, $0x2  }
0xba: {  	s3 =	sand.u32 $0x4000, s31;
	s1 =	sadd.s32 s1, s30  }
0xbb: {  	s0 =	sor.u32 s3, s0;
	s1 =	sshll.u32 s1, $0x11  }
0xbc: {  	s0 =	sor.u32 s1, s0  }
0xbd: {  	s0 =	sadd.s32 $0x8F2B, s0  }
0xbe: {  	[sflag:s0] =	ssyncadd.remote.s32 $0x1  }
0xbf: {  	_ =	sfence.sel $0xFFFF  }
0xc0: {  	[dreg:$0x0] =	wrdreg $0xFFFFFFFF;
	(pc) =	sbr.abs _section_cstart, $3  }
0xc1: {  	[dreg:$0x1] =	wrdreg $0xFFFFFFFF  }
0xc2: {  	_ =	task.clear_ibuf [dreg:s7], $0x2FFFF;
	_ =	strace $0x9FFFFFFF  }
0xc3: {  	(tm) =	ssettm $0x7FFFFFFF  }
tec
execute0_lowered:
.L_overlay_start_1:
0x0: {  	(tag) =	ssettag $0x1  }
0x1: {  	s6 =	rddreg [dreg:$0x0]  }
0x2: {  	s0 =	srdreg.scid;
	s8 =	rddreg [dreg:$0x1]  }
0x3: {  	s2 =	rddreg [dreg:$0x2];
	s3 =	simm.s32 $0x0;
	s14 =	simm.s32 $0x80  }
0x4: {  	s15 =	simm.s32 $0x5000;
	s7 =	sand.u32 $0x1, s0;
	s0 =	stileid.u32  }
0x5: {  	s16 =	simm.s32 $0x1;
	s17 =	simm.s32 $0x0;
	s10 =	smul.u32 $0xC80, s0  }
0x6: {  	[smem:$0x7FF] =	sst s3;
	s5 =	sadd.s32 $0x800, s6;
	s11 =	smul.u32 $0xC800, s7  }
0x7: {  	s1 =	sshll.u32 s7, $0x4;
	s13 =	smul.u32 $0x19000, s0;
	s7 =	ssub.s32 $0x2, s7  }
0x8: {  	s31 =	sshll.u32 s0, $0x6;
	s4 =	sor.u32 s0, s1;
	s1 =	rddreg [dreg:$0x3]  }
0x9: {  	_ =	strace $0x8000004D;
	s28 =	sshrl.u32 s7, $0x1;
	s9 =	smul.u32 $0x500, s4  }
0xa: {  	s4 =	sadd.s32 $0xFE00, s6;
	s10 =	sadd.s32 s10, s11;
	s29 =	sshrl.u32 s13, $0x2  }
0xb: {  	s30 =	ssub.s32 s7, s28;
	s13 =	simm.s32 $0x2800;
	s10 =	sadd.s32 s10, s6  }
0xc: {  	s11 =	sadd.s32 s29, s2;
	s12 =	sadd.s32 s9, s6;
	s6 =	sor.u32 $0x1C02, s31  }
0xd: {  	s8 =	sadd.s32 s8, s9;
	s9 =	sadd.s32 $0x1C600, s10;
	s10 =	smax.u32 s30, $0x1  }
0xe: {  	s11 =	sshrl.u32 s11, $0x3;
	s7 =	sadd.s32 $0x5E00, s12;
	s12 =	simm.s32 $0x2  }
.LBB2_1:
0xf: {  	[spmem:s11], [sflag:s6] =	dma.local [hbm:s5], $0xC80  }
0x10: {  	_ =	swait.ge [sflag:s12], $0xC80  }
0x11: {  	[sflag:s12] =	ssyncset.done $0x0  }
0x12: {  	[sflag:s12] =	ssyncadd.s32 $0xFFFFF380  }
0x13: {  	[tilespmem:s3], [sflag:$0x2] =	stream.linear.gather [hbm4b:s7+s3], $0x2800, $0x38;
	[tilespmem:$0xC800] =	vst v63  }
0x14: {  	_ =	swait.ge [sflag:s12], $0x2800  }
0x15: {  	[sflag:s12] =	ssyncset.done $0x0  }
0x16: {  	[sflag:s12] =	ssyncadd.s32 $0xFFFFD800  }
0x17: {  	[tilespmem:s13], [sflag:$0x2] =	stream.linear.gather [hbm4b:s8+s3], $0x2800, $0x38;
	[tilespmem:$0xC800] =	vst v63  }
0x18: {  	_ =	swait.ge [sflag:s12], $0x2800  }
0x19: {  	[sflag:s12] =	ssyncset.done $0x0  }
0x1a: {  	[sflag:s12] =	ssyncadd.s32 $0xFFFFD800  }
0x1b: {  	s18 =	simm.s32 $0x0;
	[bflag:$0x0] =	sbarrier.arrive $0xFFFF  }
0x1c: {  	[tilespmem:s15], [sflag:$0x1] =	stream.indirect.gather [hbm4b:s4+s14], $0x28, s18, s14, $0xb8;
	[tilespmem:$0xC800] =	vst v63  }
0x1d: {  	_ =	swait.ge [sflag:s16], $0x1400  }
0x1e: {  	[sflag:s16] =	ssyncset.done $0x0  }
0x1f: {  	s31 =	simm.s32 $0x2800;
	[sflag:s16] =	ssyncadd.s32 $0xFFFFEC00  }
0x20: {  	[spmem:s2] =	stream.indirect.scatter.add.f32 [tilespmem:s15], [sflag:$0x2], $0x28, s31, s14, $0xb8;
	[tilespmem:$0xC800] =	vst v63  }
0x21: {  	_ =	swait.ge [sflag:s12], $0x1400  }
0x22: {  	s19 =	simm.s32 $0x400;
	s18 =	simm.s32 $0x200;
	[sflag:s12] =	ssyncset.done $0x0  }
.LBB2_2:
0x23: {  	s20 =	sshra.s32 s18, $0x2  }
0x24: {  	[sflag:s12] =	ssyncadd.s32 $0xFFFFEC00;
	s18 =	smov.u32 s19;
	s21 =	sadd.s32 $0x200, s19  }
0x25: {  	[tilespmem:s15], [sflag:$0x1] =	stream.indirect.gather [hbm4b:s4+s14], $0x28, s20, s14, $0xb8;
	[tilespmem:$0xC800] =	vst v63  }
0x26: {  	p0 =	sne.s32 s19, $0x9E00;
	_ =	swait.ge [sflag:s16], $0x1400  }
.Ltmp0:
0x27: {  	[sflag:s16] =	ssyncset.done $0x0;
	(pc) =	sbr.rel @p0 .LBB2_2-.Ltmp0, $4  }
0x28: {  	s19 =	sadd.s32 $0x2800, s20;
	[sflag:s16] =	ssyncadd.s32 $0xFFFFEC00  }
0x29: {  	[spmem:s2] =	stream.indirect.scatter.add.f32 [tilespmem:s15], [sflag:$0x2], $0x28, s19, s14, $0xb8;
	[tilespmem:$0xC800] =	vst v63  }
0x2a: {  	_ =	swait.ge [sflag:s12], $0x1400  }
0x2b: {  	s19 =	smov.u32 s21;
	[sflag:s12] =	ssyncset.done $0x0  }
0x2c: {  	s18 =	sshra.s32 s18, $0x2;
	[sflag:s12] =	ssyncadd.s32 $0xFFFFEC00  }
0x2d: {  	[tilespmem:s15], [sflag:$0x1] =	stream.indirect.gather [hbm4b:s4+s14], $0x28, s18, s14, $0xb8;
	[tilespmem:$0xC800] =	vst v63  }
0x2e: {  	_ =	swait.ge [sflag:s16], $0x1400  }
0x2f: {  	[sflag:s16] =	ssyncset.done $0x0  }
0x30: {  	s18 =	sadd.s32 $0x2800, s18;
	[sflag:s16] =	ssyncadd.s32 $0xFFFFEC00  }
0x31: {  	[spmem:s2] =	stream.indirect.scatter.add.f32 [tilespmem:s15], [sflag:$0x2], $0x28, s18, s14, $0xb8;
	[tilespmem:$0xC800] =	vst v63  }
0x32: {  	_ =	swait.ge [sflag:s12], $0x1400  }
0x33: {  	s17 =	sadd.s32 $0x1, s17;
	[sflag:s12] =	ssyncset.done $0x0  }
0x34: {  	p0 =	sne.s32 s17, s10;
	[sflag:s12] =	ssyncadd.s32 $0xFFFFEC00  }
.Ltmp1:
0x35: {  	[bflag:$0x0] =	sbarrier.arrive $0xFFFF;
	(pc) =	sbr.rel @p0 .LBB2_1-.Ltmp1, $4  }
0x36: {  	[hbm:s9], [sflag:s6] =	dma.local [spmem:s11], $0xC80  }
0x37: {  	_ =	swait.ge [sflag:s12], $0xC80  }
0x38: {  	[sflag:s12] =	ssyncset.done $0x0  }
0x39: {  	[sflag:s12] =	ssyncadd.s32 $0xFFFFF380  }
0x3a: {  	_ =	sfence.sel $0x180000  }
0x3b: {  	[bflag:$0x0] =	sbarrier.arrive $0xFFFF  }
0x3c: {  	p0 =	sne.s32 s0, $0x0;
	_ =	strace $0x9000004D  }
0x3d: {  	s0 =	sadd.s32 @!p0 $0x100000, s1;
	[bflag:$0x2] =	sbarrier.arrive $0xFFFF  }
0x3e: {  	[sflag:s0] =	ssyncadd.tile.s32 @!p0 $0x1;
	_ =	shalt  }
.Lfunc_end2:
_tile_overlayer_lowered:
.L_overlay_start_2:
0x3f: {  	(tag) =	ssettag $0x2  }
0x40: {  	s0 =	rddreg [dreg:$0x0];
	s2 =	stileid.u32  }
0x41: {  	s1 =	rddreg [dreg:$0x1];
	p0 =	sne.s32 s2, $0x0  }
0x42: {  	s3 =	rddreg [dreg:$0x2];
	[bflag:$0x3] =	sbarrier.arrive $0xFFFF;
	s2 =	simm.s32 @!p0 $0x1C02  }
0x43: {  	[timem:s3], [sflag:s2] =	dma.local @!p0 [hbm:s0], s1  }
0x44: {  	s0 =	simm.s32 @!p0 $0x2  }
0x45: {  	_ =	swait.ge @!p0 [sflag:s0], s1  }
0x46: {  	s1 =	ssub.s32 @!p0 $0x0, s1;
	[sflag:s0] =	ssyncset.done @!p0 $0x0  }
0x47: {  	[sflag:s0] =	ssyncadd.s32 @!p0 s1  }
0x48: {  	[bflag:$0x3] =	sbarrier.arrive $0xFFFF  }
0x49: {  	_ =	shalt  }

// kernel: kernel.8.cloned.1.call-start
scs
__scs_entry_jumppad:
0x0: {  	(pc) =	sbr.rel $0x88, $3  }
0x1: {  	(tag) =	ssettag $0x0;
	lr =	simm.s32 $0x1  }
0x2: {  	[smem:$0x3F9B] =	sst lr;
	_ =	strace $0xD0000000  }
0x3: {  	_ = 	snop  }
0x4: {  	_ = 	snop  }
0x5: {  	_ = 	snop  }
0x6: {  	_ = 	snop  }
0x7: {  	_ = 	snop  }
__scs_overlays_trampoline_lowered:
0x8: {  	[smem:$0x3FAA] =	sst s0  }
0x9: {  	[smem:$0x3FAB] =	sst s1  }
0xa: {  	[smem:$0x3FAC] =	sst s2  }
0xb: {  	[smem:$0x3FAD] =	sst s3  }
0xc: {  	[smem:$0x3FAE] =	sst s4  }
0xd: {  	[smem:$0x3FAF] =	sst s5  }
0xe: {  	[smem:$0x3FB0] =	sst s6  }
0xf: {  	[smem:$0x3FB1] =	sst s7  }
0x10: {  	[smem:$0x3FB2] =	sst s8  }
0x11: {  	[smem:$0x3FB3] =	sst s9;
	s0 =	simm.s32 @!p0 $0x0  }
0x12: {  	s1 =	sld [smem:$0x3F99];
	s0 =	simm.s32 @p0 $0x1  }
0x13: {  	[smem:$0x3FB4] =	sst s0;
	s0 =	simm.s32 @!p1 $0x0  }
0x14: {  	s2 =	sld [smem:$0x3F98];
	s0 =	simm.s32 @p1 $0x1  }
0x15: {  	[smem:$0x3FB5] =	sst s0;
	s0 =	simm.s32 @!p2 $0x0  }
0x16: {  	s3 =	sld [smem:$0x3FDB];
	s0 =	simm.s32 @p2 $0x1  }
0x17: {  	s4 =	simm.s32 $0x1BF5;
	[smem:$0x3FB7] =	sst s0  }
0x18: {  	s0 =	sld [smem:$0x3F9A];
	_ =	swait.ge [sflag:s4], $0x0  }
0x19: {  	s7 =	sld [smem:$0x3F9B]  }
0x1a: {  	s8 =	sadd.s32 $0xFFFFE003, lr  }
0x1b: {  	s9 =	sadd.s32 $0xFFFFFEF7, lr;
	s5 =	simm.s32 $0xFFFFFFFF;
	p2 =	slt.u32 s8, $0xFFFFF086  }
0x1c: {  	p1 =	slt.u32 s9, $0xF7A;
	s5 =	simm.s32 @!p2 $0x0  }
0x1d: {  	s5 =	simm.s32 @p1 $0x1;
	p0 =	seq.s32 s7, s2  }
0x1e: {  	s7 =	smul.u32 @!p0 $0xF7A, s2;
	p2 =	seq.s32 @!p0 s5, $0x0  }
0x1f: {  	s9 =	smul.u32 $0xF7A, s1;
	s8 =	simm.s32 @!p0 $0x1BF5;
	p2 =	por !p2, p0  }
0x20: {  	[sflag:s8] =	ssyncset.s32 @!p0 $0xFFFFF086;
	s6 =	sadd.s32 @!p0 s3, s7;
	s7 =	simm.s32 @!p0 $0x108  }
0x21: {  	s3 =	sadd.s32 s3, s9;
	s6 =	sadd.s32 @!p0 $0x88, s6;
	s7 =	simm.s32 @p2 $0x1082  }
0x22: {  	[simem:s7], [sflag:s8] =	dma.local @!p0 [hbm:s6], $0xF7A  }
0x23: {  	s9 =	sor.u32 $0xD0000000, s2;
	s6 =	simm.s32 $0x108;
	_ =	swait.ge @!p0 [sflag:s8], $0x0  }
0x24: {  	s3 =	sadd.s32 $0x88, s3;
	s6 =	simm.s32 @!p1 $0x1082;
	[sflag:s4] =	ssyncset.s32 $0xFFFFF086  }
0x25: {  	[simem:s6], [sflag:s4] =	dma.local [hbm:s3], $0xF7A  }
0x26: {  	[smem:$0x3F9B] =	sst s1;
	(tag) =	ssettag s2;
	_ =	strace s9  }
0x27: {  	s1 =	sld [smem:$0x3FAB]  }
0x28: {  	s2 =	sld [smem:$0x3FAC]  }
0x29: {  	s4 =	sld [smem:$0x3FAE]  }
0x2a: {  	p0 =	seq.s32 s5, $0x0;
	s5 =	sld [smem:$0x3FAF]  }
0x2b: {  	s6 =	sld [smem:$0x3FB0]  }
0x2c: {  	s7 =	sld [smem:$0x3FB1]  }
0x2d: {  	s3 =	simm.s32 $0x108;
	s8 =	sld [smem:$0x3FB2]  }
0x2e: {  	s3 =	simm.s32 @!p0 $0x1082;
	s9 =	sld [smem:$0x3FB3]  }
0x2f: {  	lr =	sadd.s32 s0, s3;
	s0 =	sld [smem:$0x3FAA]  }
0x30: {  	s3 =	sld [smem:$0x3FAD]  }
0x31: {  	[smem:$0x3FB6] =	sst s10  }
0x32: {  	s10 =	sld [smem:$0x3FB4];
	_ =	sdelay $0x3  }
0x33: {  	p0 =	seq.s32 s10, $0x1;
	s10 =	sld [smem:$0x3FB6];
	_ =	sdelay $0x3  }
0x34: {  	[smem:$0x3FB6] =	sst s10  }
0x35: {  	s10 =	sld [smem:$0x3FB5];
	_ =	sdelay $0x3  }
0x36: {  	p1 =	seq.s32 s10, $0x1;
	s10 =	sld [smem:$0x3FB6];
	_ =	sdelay $0x3  }
0x37: {  	[smem:$0x3FB6] =	sst s10  }
0x38: {  	s10 =	sld [smem:$0x3FB7]  }
0x39: {  	_ = 	snop;
	(pc) =	sbr.ind lr, $3  }
0x3a: {  	_ = 	snop  }
0x3b: {  	_ = 	snop  }
0x3c: {  	p2 =	seq.s32 s10, $0x1;
	s10 =	sld [smem:$0x3FB6]  }
0x3d: {  	_ =	shalt  }
0x3e: {  	_ =	shalt  }
0x3f: {  	_ =	shalt  }
0x40: {  	_ =	shalt  }
0x41: {  	_ =	shalt  }
0x42: {  	_ =	shalt  }
0x43: {  	_ =	shalt  }
0x44: {  	_ =	shalt  }
0x45: {  	_ =	shalt  }
0x46: {  	_ =	shalt  }
0x47: {  	_ =	shalt  }
0x48: {  	_ =	shalt  }
0x49: {  	_ =	shalt  }
0x4a: {  	_ =	shalt  }
0x4b: {  	_ =	shalt  }
0x4c: {  	_ =	shalt  }
0x4d: {  	_ =	shalt  }
0x4e: {  	_ =	shalt  }
0x4f: {  	_ =	shalt  }
0x50: {  	_ =	shalt  }
0x51: {  	_ =	shalt  }
0x52: {  	_ =	shalt  }
0x53: {  	_ =	shalt  }
0x54: {  	_ =	shalt  }
0x55: {  	_ =	shalt  }
0x56: {  	_ =	shalt  }
0x57: {  	_ =	shalt  }
0x58: {  	_ =	shalt  }
0x59: {  	_ =	shalt  }
0x5a: {  	_ =	shalt  }
0x5b: {  	_ =	shalt  }
0x5c: {  	_ =	shalt  }
0x5d: {  	_ =	shalt  }
0x5e: {  	_ =	shalt  }
0x5f: {  	_ =	shalt  }
0x60: {  	_ =	shalt  }
0x61: {  	_ =	shalt  }
0x62: {  	_ =	shalt  }
0x63: {  	_ =	shalt  }
0x64: {  	_ =	shalt  }
0x65: {  	_ =	shalt  }
0x66: {  	_ =	shalt  }
0x67: {  	_ =	shalt  }
0x68: {  	_ =	shalt  }
0x69: {  	_ =	shalt  }
0x6a: {  	_ =	shalt  }
0x6b: {  	_ =	shalt  }
0x6c: {  	_ =	shalt  }
0x6d: {  	_ =	shalt  }
0x6e: {  	_ =	shalt  }
0x6f: {  	_ =	shalt  }
0x70: {  	_ =	shalt  }
0x71: {  	_ =	shalt  }
0x72: {  	_ =	shalt  }
0x73: {  	_ =	shalt  }
0x74: {  	_ =	shalt  }
0x75: {  	_ =	shalt  }
0x76: {  	_ =	shalt  }
0x77: {  	_ =	shalt  }
0x78: {  	_ =	shalt  }
0x79: {  	_ =	shalt  }
0x7a: {  	_ =	shalt  }
0x7b: {  	_ =	shalt  }
0x7c: {  	_ =	shalt  }
0x7d: {  	_ =	shalt  }
0x7e: {  	_ =	shalt  }
0x7f: {  	_ =	shalt  }
0x80: {  	_ =	shalt  }
0x81: {  	_ =	shalt  }
0x82: {  	_ =	shalt  }
0x83: {  	_ =	shalt  }
0x84: {  	_ =	shalt  }
0x85: {  	_ =	shalt  }
0x86: {  	_ =	shalt  }
0x87: {  	_ =	shalt  }
.Lfunc_end0:
.L_simem_size_0:
called_computation_lowered:
.L_overlay_start_0:
0x88: {  	s2 =	sld [smem:$0x3FD9]  }
0x89: {  	s3 =	sld [smem:$0x3FFE];
	_ =	sdelay $0x1  }
0x8a: {  	s1 =	srdreg.scid  }
0x8b: {  	s0 =	sand.u32 $0x1, s1  }
0x8c: {  	s17 =	sshll.u32 s0, $0xA;
	s2 =	sadd.s32 s3, s2  }
0x8d: {  	s2 =	sadd.s32 s2, s17  }
0x8e: {  	[smem:$0x3FC2] =	sst s2  }
0x8f: {  	_ = 	snop  }
0x90: {  	s2 =	sld [smem:$0x3FD0];
	(tm) =	ssettm $0x1  }
0x91: {  	s18 =	sld [smem:$0x3FFB];
	_ =	sdelay $0x3  }
0x92: {  	_ =	strace s18  }
0x93: {  	s3 =	sld [smem:$0x3FFC];
	_ =	sdelay $0x3  }
0x94: {  	_ =	strace s3  }
0x95: {  	s3 =	sld [smem:$0x3FFD];
	_ =	sdelay $0x3  }
0x96: {  	_ =	strace s3  }
0x97: {  	_ =	strace $0x8FFFFFFF  }
0x98: {  	s19 =	sld [smem:$0x3FDB];
	_ =	sdelay $0x1  }
0x99: {  	s4 =	simm.s32 $_scs_section_size  }
0x9a: {  	s5 =	simm.s32 $_size__tile_overlayer_lowered;
	s6 =	simm.s32 $_tile_overlayer_lowered  }
0x9b: {  	s22 =	simm.s32 $0x1BFF;
	s21 =	sshll.u32 s6, $0x1;
	s3 =	sadd.s32 s4, s19  }
0x9c: {  	s7 =	simm.s32 $0x0;
	s20 =	sshll.u32 s5, $0x1;
	s5 =	sadd.s32 s21, s3  }
0x9d: {  	[timem:s7], [sflag:s22] =	dma.local [hbm:s5], s20  }
0x9e: {  	_ =	swait.ge [sflag:s22], s20  }
0x9f: {  	s4 =	ssub.s32 $0x0, s20;
	[sflag:s22] =	ssyncset.done $0x0  }
0xa0: {  	[sflag:s22] =	ssyncadd.s32 s4;
	_ =	sdelay $0x1  }
0xa1: {  	s23 =	simm.s32 $0x1B8B  }
0xa2: {  	_ =	swait.ge [sflag:s23], $0x1  }
0xa3: {  	[sflag:s23] =	ssyncset.done $0x0  }
0xa4: {  	s25 =	simm.s32 $0x1B8E;
	s24 =	sld [smem:$0x3FFE];
	[sflag:s23] =	ssyncadd.s32 $0xFFFFFFFF  }
0xa5: {  	s26 =	simm.s32 $execute0_lowered;
	[smem:$0x3FD2] =	sst s25  }
0xa6: {  	s5 =	sshll.u32 s26, $0x1;
	_ =	strace $0x80000046;
	[dreg:$0x1] =	wrdreg $0xFFFFFFFF  }
0xa7: {  	s28 =	simm.s32 $_size_execute0_lowered;
	s3 =	sadd.s32 s3, s5;
	[dreg:$0x0] =	wrdreg $0x0  }
0xa8: {  	s5 =	sshll.u32 s28, $0x1;
	[dreg:$0x2] =	wrdreg s3  }
0xa9: {  	[dreg:$0x3] =	wrdreg s5  }
0xaa: {  	[dreg:$0x4] =	wrdreg $0xC0  }
0xab: {  	_ =	task [dreg:s7], $0x5FFFF  }
0xac: {  	[dreg:$0x1] =	wrdreg $0xFFFFFFFF  }
0xad: {  	[dreg:$0x0] =	wrdreg $0x60  }
0xae: {  	[dreg:$0x2] =	wrdreg s24  }
0xaf: {  	[dreg:$0x3] =	wrdreg s2  }
0xb0: {  	[dreg:$0x4] =	wrdreg $0x2C000  }
0xb1: {  	[dreg:$0x5] =	wrdreg $0x9  }
0xb2: {  	_ =	task.clear_ibuf [dreg:s7], $0x6FFFF;
	_ =	strace $0x90000046  }
0xb3: {  	s29 =	simm.s32 $0x9;
	_ =	strace $0x80000048  }
0xb4: {  	_ =	swait.ge [sflag:s29], $0x1  }
0xb5: {  	[sflag:s29] =	ssyncadd.s32 $0xFFFFFFFF  }
0xb6: {  	_ =	strace $0x90000048  }
0xb7: {  	_ =	sfence  }
0xb8: {  	s30 =	sld [smem:$0x0];
	_ =	sdelay $0x2  }
0xb9: {  	s31 =	sshll.u32 s1, $0xD;
	s1 =	sshrl.u32 s1, $0x2  }
0xba: {  	s3 =	sand.u32 $0x4000, s31;
	s1 =	sadd.s32 s1, s30  }
0xbb: {  	s0 =	sor.u32 s3, s0;
	s1 =	sshll.u32 s1, $0x11  }
0xbc: {  	s0 =	sor.u32 s1, s0  }
0xbd: {  	s0 =	sadd.s32 $0x8F2B, s0  }
0xbe: {  	[sflag:s0] =	ssyncadd.remote.s32 $0x1  }
0xbf: {  	_ =	sfence.sel $0xFFFF  }
0xc0: {  	[dreg:$0x0] =	wrdreg $0xFFFFFFFF;
	(pc) =	sbr.abs _section_cstart, $3  }
0xc1: {  	[dreg:$0x1] =	wrdreg $0xFFFFFFFF  }
0xc2: {  	_ =	task.clear_ibuf [dreg:s7], $0x2FFFF;
	_ =	strace $0x9FFFFFFF  }
0xc3: {  	(tm) =	ssettm $0x7FFFFFFF  }
tec
execute0_lowered:
.L_overlay_start_1:
0x0: {  	(tag) =	ssettag $0x1  }
0x1: {  	s6 =	rddreg [dreg:$0x0]  }
0x2: {  	s7 =	rddreg [dreg:$0x1]  }
0x3: {  	s2 =	rddreg [dreg:$0x2]  }
0x4: {  	s0 =	rddreg [dreg:$0x3];
	s3 =	simm.s32 $0x0  }
0x5: {  	s1 =	stileid.u32;
	s9 =	srdreg.scid;
	s13 =	simm.s32 $0x80  }
0x6: {  	s14 =	simm.s32 $0x0;
	[smem:$0x7FF] =	sst s3;
	s8 =	smul.u32 $0x280, s1  }
0x7: {  	s4 =	sadd.s32 $0xC00, s6;
	s5 =	sadd.s32 $0x800, s6;
	s30 =	sand.u32 $0x1, s9  }
0x8: {  	s10 =	smul.u32 $0x5000, s1;
	s31 =	sshll.u32 s1, $0x6;
	_ =	strace $0x80000047  }
0x9: {  	s9 =	ssub.s32 $0x2, s30;
	s11 =	sshll.u32 s30, $0x4;
	s6 =	sadd.s32 s8, s6  }
0xa: {  	s12 =	sshrl.u32 s9, $0x1;
	s11 =	sor.u32 s1, s11;
	s8 =	smul.u32 $0x2800, s30  }
0xb: {  	s10 =	sshrl.u32 s10, $0x2;
	s9 =	ssub.s32 s9, s12;
	s11 =	smul.u32 $0x500, s11  }
0xc: {  	s10 =	sadd.s32 s10, s2;
	s12 =	simm.s32 $0x2800;
	s8 =	sadd.s32 s8, s6  }
0xd: {  	s6 =	sor.u32 $0x1C01, s31;
	s9 =	smax.u32 s9, $0x1;
	s10 =	sshrl.u32 s10, $0x3  }
0xe: {  	s7 =	sadd.s32 s7, s11;
	s8 =	sadd.s32 $0xE00, s8;
	s11 =	simm.s32 $0x1  }
.LBB2_1:
0xf: {  	[spmem:s10], [sflag:s6] =	dma.local [hbm:s5], $0x280  }
0x10: {  	_ =	swait.ge [sflag:s11], $0x280  }
0x11: {  	[sflag:s11] =	ssyncset.done $0x0  }
0x12: {  	[sflag:s11] =	ssyncadd.s32 $0xFFFFFD80  }
0x13: {  	[tilespmem:s12], [sflag:$0x1] =	stream.linear.gather [hbm4b:s4+s3], $0x400, $0x38;
	[tilespmem:$0x4000] =	vst v63  }
0x14: {  	_ =	swait.ge [sflag:s11], $0x400  }
0x15: {  	[sflag:s11] =	ssyncset.done $0x0  }
0x16: {  	[sflag:s11] =	ssyncadd.s32 $0xFFFFFC00  }
0x17: {  	[tilespmem:s3], [sflag:$0x1] =	stream.linear.gather [hbm4b:s7+s3], $0x2800, $0x38;
	[tilespmem:$0x4000] =	vst v63  }
0x18: {  	_ =	swait.ge [sflag:s11], $0x2800  }
0x19: {  	[sflag:s11] =	ssyncset.done $0x0  }
0x1a: {  	[sflag:s11] =	ssyncadd.s32 $0xFFFFD800  }
0x1b: {  	s15 =	simm.s32 $0x0;
	[bflag:$0x0] =	sbarrier.arrive $0xFFFF  }
0x1c: {  	[spmem:s2] =	stream.indirect.scatter.add.f32 [tilespmem:s12], [sflag:$0x1], $0x8, s15, s13, $0xb8;
	[tilespmem:$0x4000] =	vst v63  }
0x1d: {  	_ =	swait.ge [sflag:s11], $0x400  }
0x1e: {  	s15 =	simm.s32 $0x200;
	[sflag:s11] =	ssyncset.done $0x0  }
.LBB2_2:
0x1f: {  	s16 =	sshra.s32 s15, $0x2;
	[sflag:s11] =	ssyncadd.s32 $0xFFFFFC00;
	p0 =	sne.s32 s15, $0x9E00  }
0x20: {  	[spmem:s2] =	stream.indirect.scatter.add.f32 [tilespmem:s12], [sflag:$0x1], $0x8, s16, s13, $0xb8;
	[tilespmem:$0x4000] =	vst v63  }
.Ltmp0:
0x21: {  	_ = 	snop;
	(pc) =	sbr.rel @p0 .LBB2_2-.Ltmp0, $4  }
0x22: {  	_ = 	snop  }
0x23: {  	s15 =	sadd.s32 $0x200, s15  }
0x24: {  	_ =	swait.ge [sflag:s11], $0x400  }
0x25: {  	[sflag:s11] =	ssyncset.done $0x0  }
0x26: {  	s14 =	sadd.s32 $0x1, s14  }
0x27: {  	[sflag:s11] =	ssyncadd.s32 $0xFFFFFC00;
	p0 =	sne.s32 s14, s9  }
.Ltmp1:
0x28: {  	[bflag:$0x0] =	sbarrier.arrive $0xFFFF;
	(pc) =	sbr.rel @p0 .LBB2_1-.Ltmp1, $4  }
0x29: {  	[hbm:s8], [sflag:s6] =	dma.local [spmem:s10], $0x280  }
0x2a: {  	_ =	swait.ge [sflag:s11], $0x280  }
0x2b: {  	[sflag:s11] =	ssyncset.done $0x0  }
0x2c: {  	[sflag:s11] =	ssyncadd.s32 $0xFFFFFD80  }
0x2d: {  	_ =	sfence.sel $0x180000  }
0x2e: {  	[bflag:$0x0] =	sbarrier.arrive $0xFFFF  }
0x2f: {  	p0 =	sne.s32 s1, $0x0;
	_ =	strace $0x90000047  }
0x30: {  	s0 =	sadd.s32 @!p0 $0x100000, s0;
	[bflag:$0x2] =	sbarrier.arrive $0xFFFF  }
0x31: {  	[sflag:s0] =	ssyncadd.tile.s32 @!p0 $0x1;
	_ =	shalt  }
.Lfunc_end2:
_tile_overlayer_lowered:
.L_overlay_start_2:
0x32: {  	(tag) =	ssettag $0x2  }
0x33: {  	s0 =	rddreg [dreg:$0x0];
	s2 =	stileid.u32  }
0x34: {  	s1 =	rddreg [dreg:$0x1];
	p0 =	sne.s32 s2, $0x0  }
0x35: {  	s3 =	rddreg [dreg:$0x2];
	[bflag:$0x3] =	sbarrier.arrive $0xFFFF;
	s2 =	simm.s32 @!p0 $0x1C01  }
0x36: {  	[timem:s3], [sflag:s2] =	dma.local @!p0 [hbm:s0], s1  }
0x37: {  	s0 =	simm.s32 @!p0 $0x1  }
0x38: {  	_ =	swait.ge @!p0 [sflag:s0], s1  }
0x39: {  	s1 =	ssub.s32 @!p0 $0x0, s1;
	[sflag:s0] =	ssyncset.done @!p0 $0x0  }
0x3a: {  	[sflag:s0] =	ssyncadd.s32 @!p0 s1  }
0x3b: {  	[bflag:$0x3] =	sbarrier.arrive $0xFFFF  }
0x3c: {  	_ =	shalt  }

</sc_bundles>
